<compile_context>
chip_gen: v7x
topology: tpu7x:2x2x1
jax: 0.10.2.dev20260603
libtpu: 0.0.44.dev20260713+nightly
codegen_flags: <defaults>
</compile_context>

<pallas_src>
import functools

import jax
import jax.numpy as jnp
from jax import lax
from jax.experimental import pallas as pl
from jax.experimental.pallas import tpu as pltpu
from jax.experimental.pallas import tpu_sc as plsc

_E = 64
_D = 768
_DFF = 128
_T = 4096
_TB = 512
_NB = _T // _TB
_B = 128
_MB = _T // _B + _E
_PMAX = _MB * _B

_NC = 2
_NS = 16
_NW = _NC * _NS
_TPW = _T // _NW


def _router_kernel(x_ref, wg_ref, bg_ref, sel_ref, rank_ref, gate_ref,
                   counts_ref, cnt_scr):
    i = pl.program_id(0)

    @pl.when(i == 0)
    def _init():
        cnt_scr[...] = jnp.zeros_like(cnt_scr)

    xb = x_ref[...]
    logits = jnp.dot(xb, wg_ref[...],
                     preferred_element_type=jnp.float32) + bg_ref[0]
    m = jnp.max(logits, axis=1, keepdims=True)
    s = jnp.sum(jnp.exp(logits - m), axis=1)
    gate = 1.0 / s
    iota_e = jax.lax.broadcasted_iota(jnp.int32, (_TB, _E), 1)
    eq = logits == m
    sel = jnp.min(jnp.where(eq, iota_e, _E), axis=1)
    oh = (iota_e == sel[:, None]).astype(jnp.float32)

    r = jax.lax.broadcasted_iota(jnp.int32, (_TB, _TB), 0)
    c = jax.lax.broadcasted_iota(jnp.int32, (_TB, _TB), 1)
    tri = (r > c).astype(jnp.float32)
    pref = jnp.dot(tri, oh, preferred_element_type=jnp.float32)

    base = cnt_scr[0]
    rank = jnp.sum((pref + base[None, :]) * oh, axis=1)
    new_counts = base + jnp.sum(oh, axis=0)
    cnt_scr[0] = new_counts

    sel_ref[0, 0] = sel
    rank_ref[0, 0] = rank.astype(jnp.int32)
    gate_ref[0, 0] = gate
    counts_ref[0] = new_counts.astype(jnp.int32)


def _router(x, Wg, bg):
    return pl.pallas_call(
        _router_kernel,
        grid=(_NB,),
        in_specs=[
            pl.BlockSpec((_TB, _D), lambda i: (i, 0)),
            pl.BlockSpec((_D, _E), lambda i: (0, 0)),
            pl.BlockSpec((1, _E), lambda i: (0, 0)),
        ],
        out_specs=[
            pl.BlockSpec((1, 1, _TB), lambda i: (i, 0, 0)),
            pl.BlockSpec((1, 1, _TB), lambda i: (i, 0, 0)),
            pl.BlockSpec((1, 1, _TB), lambda i: (i, 0, 0)),
            pl.BlockSpec((1, _E), lambda i: (0, 0)),
        ],
        out_shape=[
            jax.ShapeDtypeStruct((_NB, 1, _TB), jnp.int32),
            jax.ShapeDtypeStruct((_NB, 1, _TB), jnp.int32),
            jax.ShapeDtypeStruct((_NB, 1, _TB), jnp.float32),
            jax.ShapeDtypeStruct((1, _E), jnp.int32),
        ],
        scratch_shapes=[pltpu.VMEM((8, _E), jnp.float32)],
        compiler_params=pltpu.CompilerParams(
            dimension_semantics=("arbitrary",)),
    )(x, Wg, bg.reshape(1, _E))


def _ffn_kernel(be_ref, nu_ref, xs_ref, gs_ref, w1_ref, b1_ref, w2_ref,
                b2_ref, ys_ref):
    i = pl.program_id(0)

    @pl.when(i < nu_ref[0])
    def _body():
        e = be_ref[jnp.minimum(i, nu_ref[0] - 1)]
        xb = xs_ref[...]
        h = jnp.maximum(
            jnp.dot(xb, w1_ref[0], preferred_element_type=jnp.float32)
            + b1_ref[pl.ds(e, 1), :], 0.0)
        y = (jnp.dot(h, w2_ref[0], preferred_element_type=jnp.float32)
             + b2_ref[pl.ds(e, 1), :])
        ys_ref[...] = y * gs_ref[0, :, 0][:, None]


def _grouped_ffn(xs, gs, W1, b1, W2, b2, block_expert, num_used):
    grid_spec = pltpu.PrefetchScalarGridSpec(
        num_scalar_prefetch=2,
        grid=(_MB,),
        in_specs=[
            pl.BlockSpec((_B, _D),
                         lambda i, be, nu: (jnp.minimum(i, nu[0] - 1), 0)),
            pl.BlockSpec((1, _B, 128),
                         lambda i, be, nu: (jnp.minimum(i, nu[0] - 1), 0, 0)),
            pl.BlockSpec((1, _D, _DFF),
                         lambda i, be, nu: (be[jnp.minimum(i, nu[0] - 1)],
                                            0, 0)),
            pl.BlockSpec((_E, _DFF), lambda i, be, nu: (0, 0)),
            pl.BlockSpec((1, _DFF, _D),
                         lambda i, be, nu: (be[jnp.minimum(i, nu[0] - 1)],
                                            0, 0)),
            pl.BlockSpec((_E, _D), lambda i, be, nu: (0, 0)),
        ],
        out_specs=pl.BlockSpec(
            (_B, _D), lambda i, be, nu: (jnp.minimum(i, nu[0] - 1), 0)),
    )
    return pl.pallas_call(
        _ffn_kernel,
        grid_spec=grid_spec,
        out_shape=jax.ShapeDtypeStruct((_PMAX, _D), jnp.float32),
        compiler_params=pltpu.CompilerParams(
            dimension_semantics=("arbitrary",)),
    )(block_expert, num_used, xs, gs.reshape(_MB, _B, 128),
      W1, b1, W2, b2)


def _sc_mesh():
    return plsc.VectorSubcoreMesh(core_axis_name="c", subcore_axis_name="s")


def _compute_dest(sel_v, rank_v, off_v, dest_v):
    for j in range(_TPW // 16):
        sv = sel_v[pl.ds(16 * j, 16)]
        rv = rank_v[pl.ds(16 * j, 16)]
        off = plsc.load_gather(off_v, [sv])
        dest_v[pl.ds(16 * j, 16)] = off + rv


@functools.partial(
    pl.kernel,
    mesh=_sc_mesh(),
    out_type=[
        jax.ShapeDtypeStruct((_PMAX, _D), jnp.float32),
        jax.ShapeDtypeStruct((_PMAX, 128), jnp.float32),
    ],
    scratch_types=[
        pltpu.VMEM((_TPW,), jnp.int32),
        pltpu.VMEM((_TPW,), jnp.int32),
        pltpu.VMEM((128,), jnp.int32),
        pltpu.VMEM((_TPW,), jnp.int32),
        pltpu.VMEM((_TPW, _D), jnp.float32),
        pltpu.VMEM((_TPW,), jnp.float32),
        pltpu.VMEM((_TPW, 128), jnp.float32),
        pltpu.SemaphoreType.DMA,
        pltpu.SemaphoreType.DMA,
    ],
    compiler_params=pltpu.CompilerParams(needs_layout_passes=False),
)
def _sc_dispatch(x_hbm, sel_hbm, rank_hbm, off_hbm, gate_hbm, xs_hbm, gs_hbm,
                 sel_v, rank_v, off_v, dest_v, rows_v, gate_v, grows_v,
                 sem_x, sem_g):
    wid = lax.axis_index("s") * _NC + lax.axis_index("c")
    base = wid * _TPW
    pltpu.sync_copy(sel_hbm.at[pl.ds(base, _TPW)], sel_v)
    pltpu.sync_copy(rank_hbm.at[pl.ds(base, _TPW)], rank_v)
    pltpu.sync_copy(off_hbm, off_v.at[pl.ds(0, _E)])
    pltpu.sync_copy(gate_hbm.at[pl.ds(base, _TPW)], gate_v)
    pltpu.sync_copy(x_hbm.at[pl.ds(base, _TPW)], rows_v)
    _compute_dest(sel_v, rank_v, off_v, dest_v)

    def _gate_row(t, carry):
        idx = jnp.full((16,), t, jnp.int32)
        g = plsc.load_gather(gate_v, [idx])
        for j in range(8):
            grows_v[t, pl.ds(16 * j, 16)] = g
        return carry

    lax.fori_loop(0, _TPW, _gate_row, 0)

    cp_x = pltpu.async_copy(rows_v, xs_hbm.at[dest_v], sem_x)
    cp_g = pltpu.async_copy(grows_v, gs_hbm.at[dest_v], sem_g)
    cp_x.wait()
    cp_g.wait()


@functools.partial(
    pl.kernel,
    mesh=_sc_mesh(),
    out_type=jax.ShapeDtypeStruct((_T, _D), jnp.float32),
    scratch_types=[
        pltpu.VMEM((_TPW,), jnp.int32),
        pltpu.VMEM((_TPW,), jnp.int32),
        pltpu.VMEM((128,), jnp.int32),
        pltpu.VMEM((_TPW,), jnp.int32),
        pltpu.VMEM((_TPW, _D), jnp.float32),
        pltpu.SemaphoreType.DMA,
    ],
    compiler_params=pltpu.CompilerParams(needs_layout_passes=False),
)
def _sc_combine(ys_hbm, sel_hbm, rank_hbm, off_hbm, out_hbm,
                sel_v, rank_v, off_v, dest_v, rows_v, sem):
    wid = lax.axis_index("s") * _NC + lax.axis_index("c")
    base = wid * _TPW
    pltpu.sync_copy(sel_hbm.at[pl.ds(base, _TPW)], sel_v)
    pltpu.sync_copy(rank_hbm.at[pl.ds(base, _TPW)], rank_v)
    pltpu.sync_copy(off_hbm, off_v.at[pl.ds(0, _E)])
    _compute_dest(sel_v, rank_v, off_v, dest_v)
    pltpu.async_copy(ys_hbm.at[dest_v], rows_v, sem).wait()
    pltpu.sync_copy(rows_v, out_hbm.at[pl.ds(base, _TPW)])


def kernel(x, Wg, bg, W1, b1, W2, b2):
    sel3, rank3, gate3, counts2 = _router(x, Wg, bg)
    sel = sel3.reshape(_T)
    rank = rank3.reshape(_T)
    gate = gate3.reshape(_T)
    counts = counts2.reshape(_E)

    blocks_per_e = (counts + (_B - 1)) // _B
    num_used = jnp.sum(blocks_per_e).astype(jnp.int32).reshape(1)
    tri = (jnp.arange(_E)[:, None] >= jnp.arange(_E)[None, :]).astype(jnp.int32)
    cum_blocks = tri @ blocks_per_e
    block_expert = jnp.sum(
        (jnp.arange(_MB, dtype=jnp.int32)[:, None] >= cum_blocks[None, :])
        .astype(jnp.int32), axis=1)
    offsets = (_B * (cum_blocks - blocks_per_e)).astype(jnp.int32)

    xs, gs16 = _sc_dispatch(x, sel, rank, offsets, gate)

    ys = _grouped_ffn(xs, gs16, W1, b1, W2, b2, block_expert, num_used)

    return _sc_combine(ys, sel, rank, offsets)

# --- scband reference (transcript-rebuilt; emitter-appended) ---
"""Pipeline reference for scband-big-mo-e-90117003805350 (READ-ONLY COPY).

The authoritative reference and input builder live on the scoring server;
editing this copy changes nothing except your own understanding.
"""

import jax, jax.numpy as jnp
import numpy as np

E = 64
TOPK = 1
D = 768
DFF = 128
T = 4096


def setup_inputs(seed: int = 0) -> dict:
    key = jax.random.key(seed)
    ks = jax.random.split(key, 6)
    x = jax.random.normal(ks[0], (T, D), dtype=jnp.float32)
    Wg = jax.random.normal(ks[1], (D, E), dtype=jnp.float32) * (1.0 / np.sqrt(D))
    bg = jnp.zeros((E,), dtype=jnp.float32)
    W1 = jax.random.normal(ks[2], (E, D, DFF), dtype=jnp.float32) * (1.0 / np.sqrt(D))
    b1 = jnp.zeros((E, DFF), dtype=jnp.float32)
    W2 = jax.random.normal(ks[3], (E, DFF, D), dtype=jnp.float32) * (1.0 / np.sqrt(DFF))
    b2 = jnp.zeros((E, D), dtype=jnp.float32)
    return {"x": x, "Wg": Wg, "bg": bg, "W1": W1, "b1": b1, "W2": W2, "b2": b2}


def reference(x, Wg, bg, W1, b1, W2, b2):
    # Router: dense logits -> softmax -> top-1 expert selection
    logits = x @ Wg + bg                      # [T, E]
    probs = jax.nn.softmax(logits, axis=-1)    # [T, E]
    topv, topi = jax.lax.top_k(probs, TOPK)    # [T, 1] each
    gate = topv[:, 0]                          # combine weight (softmax prob of selected expert)
    sel = topi[:, 0]                           # selected expert id per token

    # Expert FFNs: masked dense dispatch (tokens routed to their top-1 expert)
    out = jnp.zeros_like(x)
    for e in range(E):
        m = (sel == e).astype(x.dtype) * gate  # [T]
        h = jax.nn.relu(x @ W1[e] + b1[e])     # [T, DFF]
        y = h @ W2[e] + b2[e]                  # [T, D]
        out = out + m[:, None] * y
    return out

if __name__ == "__main__":
    import jax
    _d = setup_inputs()
    print(jax.jit(kernel)(*tuple(_d.values())))

</pallas_src>

<mosaic_0001>
#map = affine_map<(d0, d1) -> (0, 0)>
#map1 = affine_map<(d0, d1) -> (0)>
module attributes {stable_mosaic.version = 14 : i64} {
  func.func @_sc_combine(%arg0: i32, %arg1: i32, %arg2: memref<12288x768xf32, #tpu.memory_space<hbm>>, %arg3: memref<4096xi32, #tpu.memory_space<hbm>>, %arg4: memref<4096xi32, #tpu.memory_space<hbm>>, %arg5: memref<64xi32, #tpu.memory_space<hbm>>, %arg6: memref<4096x768xf32, #tpu.memory_space<hbm>>, %arg7: memref<128xi32, #tpu.memory_space<vmem>>, %arg8: memref<128xi32, #tpu.memory_space<vmem>>, %arg9: memref<128xi32, #tpu.memory_space<vmem>>, %arg10: memref<128xi32, #tpu.memory_space<vmem>>, %arg11: memref<128x768xf32, #tpu.memory_space<vmem>>, %arg12: memref<!tpu.dma_semaphore, #tpu.memory_space<semaphore_mem>>) attributes {dimension_semantics = [#tpu.dimension_semantics<core_parallel>, #tpu.dimension_semantics<subcore_parallel>], iteration_bounds = array<i64: 2, 16>, scalar_prefetch = 0 : i64, scratch_operands = 6 : i64, tpu.core_type = #tpu.core_type<sc_vector_subcore>, window_params = [{transform_indices = #map}, {transform_indices = #map1}, {transform_indices = #map1}, {transform_indices = #map1}, {transform_indices = #map}]} {
    %mul3A = arith.constant 2 : i32
    %mul3A_0 = arith.muli %arg1, %mul3A : i32
    %add3A = arith.addi %mul3A_0, %arg0 : i32
    %mul3A_1 = arith.constant 128 : i32
    %mul3A_2 = arith.muli %add3A, %mul3A_1 : i32
    "tpu.region"() ({
      %run_scoped3A = tpu.sem_alloc : memref<!tpu.dma_semaphore, #tpu.memory_space<semaphore_mem>>
      %dma_start3A_68 = tpu.memref_slice %arg3[%mul3A_2] : memref<4096xi32, #tpu.memory_space<hbm>> -> memref<128xi32, #tpu.memory_space<hbm>>
      %dma_start3A_69 = tpu.memref_slice %arg3[%mul3A_2] : memref<4096xi32, #tpu.memory_space<hbm>> -> memref<128xi32, #tpu.memory_space<hbm>>
      tpu.enqueue_dma source(%dma_start3A_69 : memref<128xi32, #tpu.memory_space<hbm>>) target(%arg7 : memref<128xi32, #tpu.memory_space<vmem>>) target_semaphore(%run_scoped3A : memref<!tpu.dma_semaphore, #tpu.memory_space<semaphore_mem>>)
      %dma_wait3A_70 = tpu.memref_slice %arg3[%mul3A_2] : memref<4096xi32, #tpu.memory_space<hbm>> -> memref<128xi32, #tpu.memory_space<hbm>>
      %dma_wait3A_71 = tpu.memref_slice %arg3[%mul3A_2] : memref<4096xi32, #tpu.memory_space<hbm>> -> memref<128xi32, #tpu.memory_space<hbm>>
      tpu.wait_dma2 semaphore(%run_scoped3A : memref<!tpu.dma_semaphore, #tpu.memory_space<semaphore_mem>>) src(%dma_wait3A_71 : memref<128xi32, #tpu.memory_space<hbm>>) dst(%arg7 : memref<128xi32, #tpu.memory_space<vmem>>)
      tpu.yield
    }) : () -> ()
    "tpu.region"() ({
      %run_scoped3A = tpu.sem_alloc : memref<!tpu.dma_semaphore, #tpu.memory_space<semaphore_mem>>
      %dma_start3A_68 = tpu.memref_slice %arg4[%mul3A_2] : memref<4096xi32, #tpu.memory_space<hbm>> -> memref<128xi32, #tpu.memory_space<hbm>>
      %dma_start3A_69 = tpu.memref_slice %arg4[%mul3A_2] : memref<4096xi32, #tpu.memory_space<hbm>> -> memref<128xi32, #tpu.memory_space<hbm>>
      tpu.enqueue_dma source(%dma_start3A_69 : memref<128xi32, #tpu.memory_space<hbm>>) target(%arg8 : memref<128xi32, #tpu.memory_space<vmem>>) target_semaphore(%run_scoped3A : memref<!tpu.dma_semaphore, #tpu.memory_space<semaphore_mem>>)
      %dma_wait3A_70 = tpu.memref_slice %arg4[%mul3A_2] : memref<4096xi32, #tpu.memory_space<hbm>> -> memref<128xi32, #tpu.memory_space<hbm>>
      %dma_wait3A_71 = tpu.memref_slice %arg4[%mul3A_2] : memref<4096xi32, #tpu.memory_space<hbm>> -> memref<128xi32, #tpu.memory_space<hbm>>
      tpu.wait_dma2 semaphore(%run_scoped3A : memref<!tpu.dma_semaphore, #tpu.memory_space<semaphore_mem>>) src(%dma_wait3A_71 : memref<128xi32, #tpu.memory_space<hbm>>) dst(%arg8 : memref<128xi32, #tpu.memory_space<vmem>>)
      tpu.yield
    }) : () -> ()
    "tpu.region"() ({
      %run_scoped3A = tpu.sem_alloc : memref<!tpu.dma_semaphore, #tpu.memory_space<semaphore_mem>>
      %dma_start3A_68 = arith.constant 0 : i32
      %dma_start3A_69 = tpu.memref_slice %arg9[%dma_start3A_68] : memref<128xi32, #tpu.memory_space<vmem>> -> memref<64xi32, #tpu.memory_space<vmem>>
      %dma_start3A_70 = arith.constant 0 : i32
      %dma_start3A_71 = tpu.memref_slice %arg9[%dma_start3A_70] : memref<128xi32, #tpu.memory_space<vmem>> -> memref<64xi32, #tpu.memory_space<vmem>>
      tpu.enqueue_dma source(%arg5 : memref<64xi32, #tpu.memory_space<hbm>>) target(%dma_start3A_71 : memref<64xi32, #tpu.memory_space<vmem>>) target_semaphore(%run_scoped3A : memref<!tpu.dma_semaphore, #tpu.memory_space<semaphore_mem>>)
      %dma_wait3A_72 = arith.constant 0 : i32
      %dma_wait3A_73 = tpu.memref_slice %arg9[%dma_wait3A_72] : memref<128xi32, #tpu.memory_space<vmem>> -> memref<64xi32, #tpu.memory_space<vmem>>
      %dma_wait3A_74 = arith.constant 0 : i32
      %dma_wait3A_75 = tpu.memref_slice %arg9[%dma_wait3A_74] : memref<128xi32, #tpu.memory_space<vmem>> -> memref<64xi32, #tpu.memory_space<vmem>>
      tpu.wait_dma2 semaphore(%run_scoped3A : memref<!tpu.dma_semaphore, #tpu.memory_space<semaphore_mem>>) src(%arg5 : memref<64xi32, #tpu.memory_space<hbm>>) dst(%dma_wait3A_75 : memref<64xi32, #tpu.memory_space<vmem>>)
      tpu.yield
    }) : () -> ()
    %get3A = arith.constant 0 : index
    %get3A_3 = tpu.vector_load %arg7[%get3A] {strides = array<i32>} : memref<128xi32, #tpu.memory_space<vmem>>, vector<16xi32>,
    %get3A_4 = arith.constant 0 : index
    %get3A_5 = tpu.vector_load %arg8[%get3A_4] {strides = array<i32>} : memref<128xi32, #tpu.memory_space<vmem>>, vector<16xi32>,
    %gather3A = tpu.vector_load_idx %arg9[%get3A_3] : memref<128xi32, #tpu.memory_space<vmem>>[vector<16xi32>], vector<16xi32>,
    %add3A_6 = arith.addi %gather3A, %get3A_5 : vector<16xi32>
    %swap3A = arith.constant 0 : index
    %swap3A_7 = tpu.vector_load %arg10[%swap3A] {strides = array<i32>} : memref<128xi32, #tpu.memory_space<vmem>>, vector<16xi32>,
    tpu.vector_store %arg10[%swap3A], %add3A_6 {strides = array<i32>} : memref<128xi32, #tpu.memory_space<vmem>>, vector<16xi32>,
    %get3A_8 = arith.constant 16 : index
    %get3A_9 = tpu.vector_load %arg7[%get3A_8] {strides = array<i32>} : memref<128xi32, #tpu.memory_space<vmem>>, vector<16xi32>,
    %get3A_10 = arith.constant 16 : index
    %get3A_11 = tpu.vector_load %arg8[%get3A_10] {strides = array<i32>} : memref<128xi32, #tpu.memory_space<vmem>>, vector<16xi32>,
    %gather3A_12 = tpu.vector_load_idx %arg9[%get3A_9] : memref<128xi32, #tpu.memory_space<vmem>>[vector<16xi32>], vector<16xi32>,
    %add3A_13 = arith.addi %gather3A_12, %get3A_11 : vector<16xi32>
    %swap3A_14 = arith.constant 16 : index
    %swap3A_15 = tpu.vector_load %arg10[%swap3A_14] {strides = array<i32>} : memref<128xi32, #tpu.memory_space<vmem>>, vector<16xi32>,
    tpu.vector_store %arg10[%swap3A_14], %add3A_13 {strides = array<i32>} : memref<128xi32, #tpu.memory_space<vmem>>, vector<16xi32>,
    %get3A_16 = arith.constant 32 : index
    %get3A_17 = tpu.vector_load %arg7[%get3A_16] {strides = array<i32>} : memref<128xi32, #tpu.memory_space<vmem>>, vector<16xi32>,
    %get3A_18 = arith.constant 32 : index
    %get3A_19 = tpu.vector_load %arg8[%get3A_18] {strides = array<i32>} : memref<128xi32, #tpu.memory_space<vmem>>, vector<16xi32>,
    %gather3A_20 = tpu.vector_load_idx %arg9[%get3A_17] : memref<128xi32, #tpu.memory_space<vmem>>[vector<16xi32>], vector<16xi32>,
    %add3A_21 = arith.addi %gather3A_20, %get3A_19 : vector<16xi32>
    %swap3A_22 = arith.constant 32 : index
    %swap3A_23 = tpu.vector_load %arg10[%swap3A_22] {strides = array<i32>} : memref<128xi32, #tpu.memory_space<vmem>>, vector<16xi32>,
    tpu.vector_store %arg10[%swap3A_22], %add3A_21 {strides = array<i32>} : memref<128xi32, #tpu.memory_space<vmem>>, vector<16xi32>,
    %get3A_24 = arith.constant 48 : index
    %get3A_25 = tpu.vector_load %arg7[%get3A_24] {strides = array<i32>} : memref<128xi32, #tpu.memory_space<vmem>>, vector<16xi32>,
    %get3A_26 = arith.constant 48 : index
    %get3A_27 = tpu.vector_load %arg8[%get3A_26] {strides = array<i32>} : memref<128xi32, #tpu.memory_space<vmem>>, vector<16xi32>,
    %gather3A_28 = tpu.vector_load_idx %arg9[%get3A_25] : memref<128xi32, #tpu.memory_space<vmem>>[vector<16xi32>], vector<16xi32>,
    %add3A_29 = arith.addi %gather3A_28, %get3A_27 : vector<16xi32>
    %swap3A_30 = arith.constant 48 : index
    %swap3A_31 = tpu.vector_load %arg10[%swap3A_30] {strides = array<i32>} : memref<128xi32, #tpu.memory_space<vmem>>, vector<16xi32>,
    tpu.vector_store %arg10[%swap3A_30], %add3A_29 {strides = array<i32>} : memref<128xi32, #tpu.memory_space<vmem>>, vector<16xi32>,
    %get3A_32 = arith.constant 64 : index
    %get3A_33 = tpu.vector_load %arg7[%get3A_32] {strides = array<i32>} : memref<128xi32, #tpu.memory_space<vmem>>, vector<16xi32>,
    %get3A_34 = arith.constant 64 : index
    %get3A_35 = tpu.vector_load %arg8[%get3A_34] {strides = array<i32>} : memref<128xi32, #tpu.memory_space<vmem>>, vector<16xi32>,
    %gather3A_36 = tpu.vector_load_idx %arg9[%get3A_33] : memref<128xi32, #tpu.memory_space<vmem>>[vector<16xi32>], vector<16xi32>,
    %add3A_37 = arith.addi %gather3A_36, %get3A_35 : vector<16xi32>
    %swap3A_38 = arith.constant 64 : index
    %swap3A_39 = tpu.vector_load %arg10[%swap3A_38] {strides = array<i32>} : memref<128xi32, #tpu.memory_space<vmem>>, vector<16xi32>,
    tpu.vector_store %arg10[%swap3A_38], %add3A_37 {strides = array<i32>} : memref<128xi32, #tpu.memory_space<vmem>>, vector<16xi32>,
    %get3A_40 = arith.constant 80 : index
    %get3A_41 = tpu.vector_load %arg7[%get3A_40] {strides = array<i32>} : memref<128xi32, #tpu.memory_space<vmem>>, vector<16xi32>,
    %get3A_42 = arith.constant 80 : index
    %get3A_43 = tpu.vector_load %arg8[%get3A_42] {strides = array<i32>} : memref<128xi32, #tpu.memory_space<vmem>>, vector<16xi32>,
    %gather3A_44 = tpu.vector_load_idx %arg9[%get3A_41] : memref<128xi32, #tpu.memory_space<vmem>>[vector<16xi32>], vector<16xi32>,
    %add3A_45 = arith.addi %gather3A_44, %get3A_43 : vector<16xi32>
    %swap3A_46 = arith.constant 80 : index
    %swap3A_47 = tpu.vector_load %arg10[%swap3A_46] {strides = array<i32>} : memref<128xi32, #tpu.memory_space<vmem>>, vector<16xi32>,
    tpu.vector_store %arg10[%swap3A_46], %add3A_45 {strides = array<i32>} : memref<128xi32, #tpu.memory_space<vmem>>, vector<16xi32>,
    %get3A_48 = arith.constant 96 : index
    %get3A_49 = tpu.vector_load %arg7[%get3A_48] {strides = array<i32>} : memref<128xi32, #tpu.memory_space<vmem>>, vector<16xi32>,
    %get3A_50 = arith.constant 96 : index
    %get3A_51 = tpu.vector_load %arg8[%get3A_50] {strides = array<i32>} : memref<128xi32, #tpu.memory_space<vmem>>, vector<16xi32>,
    %gather3A_52 = tpu.vector_load_idx %arg9[%get3A_49] : memref<128xi32, #tpu.memory_space<vmem>>[vector<16xi32>], vector<16xi32>,
    %add3A_53 = arith.addi %gather3A_52, %get3A_51 : vector<16xi32>
    %swap3A_54 = arith.constant 96 : index
    %swap3A_55 = tpu.vector_load %arg10[%swap3A_54] {strides = array<i32>} : memref<128xi32, #tpu.memory_space<vmem>>, vector<16xi32>,
    tpu.vector_store %arg10[%swap3A_54], %add3A_53 {strides = array<i32>} : memref<128xi32, #tpu.memory_space<vmem>>, vector<16xi32>,
    %get3A_56 = arith.constant 112 : index
    %get3A_57 = tpu.vector_load %arg7[%get3A_56] {strides = array<i32>} : memref<128xi32, #tpu.memory_space<vmem>>, vector<16xi32>,
    %get3A_58 = arith.constant 112 : index
    %get3A_59 = tpu.vector_load %arg8[%get3A_58] {strides = array<i32>} : memref<128xi32, #tpu.memory_space<vmem>>, vector<16xi32>,
    %gather3A_60 = tpu.vector_load_idx %arg9[%get3A_57] : memref<128xi32, #tpu.memory_space<vmem>>[vector<16xi32>], vector<16xi32>,
    %add3A_61 = arith.addi %gather3A_60, %get3A_59 : vector<16xi32>
    %swap3A_62 = arith.constant 112 : index
    %swap3A_63 = tpu.vector_load %arg10[%swap3A_62] {strides = array<i32>} : memref<128xi32, #tpu.memory_space<vmem>>, vector<16xi32>,
    tpu.vector_store %arg10[%swap3A_62], %add3A_61 {strides = array<i32>} : memref<128xi32, #tpu.memory_space<vmem>>, vector<16xi32>,
    %dma_start3A = arith.constant 0 : i32
    %dma_start3A_64 = arith.constant 0 : i32
    %dma_start3A_65 = tpu.memref_slice %arg2[%dma_start3A, %dma_start3A_64] : memref<12288x768xf32, #tpu.memory_space<hbm>> -> memref<12288x768xf32, #tpu.memory_space<hbm>>
    tpu.enqueue_indirect_dma source(%dma_start3A_65 : memref<12288x768xf32, #tpu.memory_space<hbm>>) target(%arg11 : memref<128x768xf32, #tpu.memory_space<vmem>>) offsets(%arg10 : memref<128xi32, #tpu.memory_space<vmem>>) semaphore(%arg12 : memref<!tpu.dma_semaphore, #tpu.memory_space<semaphore_mem>>)
    %dma_wait3A = arith.constant 0 : i32
    %dma_wait3A_66 = arith.constant 0 : i32
    %dma_wait3A_67 = tpu.memref_slice %arg2[%dma_wait3A, %dma_wait3A_66] : memref<12288x768xf32, #tpu.memory_space<hbm>> -> memref<12288x768xf32, #tpu.memory_space<hbm>>
    tpu.wait_indirect_dma semaphore(%arg12 : memref<!tpu.dma_semaphore, #tpu.memory_space<semaphore_mem>>) src(%dma_wait3A_67 : memref<12288x768xf32, #tpu.memory_space<hbm>>) dst(%arg11 : memref<128x768xf32, #tpu.memory_space<vmem>>)
    "tpu.region"() ({
      %run_scoped3A = tpu.sem_alloc : memref<!tpu.dma_semaphore, #tpu.memory_space<semaphore_mem>>
      %dma_start3A_68 = arith.constant 0 : i32
      %dma_start3A_69 = tpu.memref_slice %arg6[%mul3A_2, %dma_start3A_68] : memref<4096x768xf32, #tpu.memory_space<hbm>> -> memref<128x768xf32, #tpu.memory_space<hbm>>
      %dma_start3A_70 = arith.constant 0 : i32
      %dma_start3A_71 = tpu.memref_slice %arg6[%mul3A_2, %dma_start3A_70] : memref<4096x768xf32, #tpu.memory_space<hbm>> -> memref<128x768xf32, #tpu.memory_space<hbm>>
      tpu.enqueue_dma source(%arg11 : memref<128x768xf32, #tpu.memory_space<vmem>>) target(%dma_start3A_71 : memref<128x768xf32, #tpu.memory_space<hbm>>) target_semaphore(%run_scoped3A : memref<!tpu.dma_semaphore, #tpu.memory_space<semaphore_mem>>)
      %dma_wait3A_72 = arith.constant 0 : i32
      %dma_wait3A_73 = tpu.memref_slice %arg6[%mul3A_2, %dma_wait3A_72] : memref<4096x768xf32, #tpu.memory_space<hbm>> -> memref<128x768xf32, #tpu.memory_space<hbm>>
      %dma_wait3A_74 = arith.constant 0 : i32
      %dma_wait3A_75 = tpu.memref_slice %arg6[%mul3A_2, %dma_wait3A_74] : memref<4096x768xf32, #tpu.memory_space<hbm>> -> memref<128x768xf32, #tpu.memory_space<hbm>>
      tpu.wait_dma2 semaphore(%run_scoped3A : memref<!tpu.dma_semaphore, #tpu.memory_space<semaphore_mem>>) src(%arg11 : memref<128x768xf32, #tpu.memory_space<vmem>>) dst(%dma_wait3A_75 : memref<128x768xf32, #tpu.memory_space<hbm>>)
      tpu.yield
    }) : () -> ()
    return
  }
}

#map = affine_map<(d0, d1) -> (0, 0)>
#map1 = affine_map<(d0, d1) -> (0)>
module attributes {stable_mosaic.version = 14 : i64} {
  func.func @_sc_dispatch(%arg0: i32, %arg1: i32, %arg2: memref<4096x768xf32, #tpu.memory_space<hbm>>, %arg3: memref<4096xi32, #tpu.memory_space<hbm>>, %arg4: memref<4096xi32, #tpu.memory_space<hbm>>, %arg5: memref<64xi32, #tpu.memory_space<hbm>>, %arg6: memref<4096xf32, #tpu.memory_space<hbm>>, %arg7: memref<12288x768xf32, #tpu.memory_space<hbm>>, %arg8: memref<12288x128xf32, #tpu.memory_space<hbm>>, %arg9: memref<128xi32, #tpu.memory_space<vmem>>, %arg10: memref<128xi32, #tpu.memory_space<vmem>>, %arg11: memref<128xi32, #tpu.memory_space<vmem>>, %arg12: memref<128xi32, #tpu.memory_space<vmem>>, %arg13: memref<128x768xf32, #tpu.memory_space<vmem>>, %arg14: memref<128xf32, #tpu.memory_space<vmem>>, %arg15: memref<128x128xf32, #tpu.memory_space<vmem>>, %arg16: memref<!tpu.dma_semaphore, #tpu.memory_space<semaphore_mem>>, %arg17: memref<!tpu.dma_semaphore, #tpu.memory_space<semaphore_mem>>) attributes {dimension_semantics = [#tpu.dimension_semantics<core_parallel>, #tpu.dimension_semantics<subcore_parallel>], iteration_bounds = array<i64: 2, 16>, scalar_prefetch = 0 : i64, scratch_operands = 9 : i64, tpu.core_type = #tpu.core_type<sc_vector_subcore>, window_params = [{transform_indices = #map}, {transform_indices = #map1}, {transform_indices = #map1}, {transform_indices = #map1}, {transform_indices = #map1}, {transform_indices = #map}, {transform_indices = #map}]} {
    %mul3A = arith.constant 2 : i32
    %mul3A_0 = arith.muli %arg1, %mul3A : i32
    %add3A = arith.addi %mul3A_0, %arg0 : i32
    %mul3A_1 = arith.constant 128 : i32
    %mul3A_2 = arith.muli %add3A, %mul3A_1 : i32
    "tpu.region"() ({
      %run_scoped3A = tpu.sem_alloc : memref<!tpu.dma_semaphore, #tpu.memory_space<semaphore_mem>>
      %dma_start3A_79 = tpu.memref_slice %arg3[%mul3A_2] : memref<4096xi32, #tpu.memory_space<hbm>> -> memref<128xi32, #tpu.memory_space<hbm>>
      %dma_start3A_80 = tpu.memref_slice %arg3[%mul3A_2] : memref<4096xi32, #tpu.memory_space<hbm>> -> memref<128xi32, #tpu.memory_space<hbm>>
      tpu.enqueue_dma source(%dma_start3A_80 : memref<128xi32, #tpu.memory_space<hbm>>) target(%arg9 : memref<128xi32, #tpu.memory_space<vmem>>) target_semaphore(%run_scoped3A : memref<!tpu.dma_semaphore, #tpu.memory_space<semaphore_mem>>)
      %dma_wait3A_81 = tpu.memref_slice %arg3[%mul3A_2] : memref<4096xi32, #tpu.memory_space<hbm>> -> memref<128xi32, #tpu.memory_space<hbm>>
      %dma_wait3A_82 = tpu.memref_slice %arg3[%mul3A_2] : memref<4096xi32, #tpu.memory_space<hbm>> -> memref<128xi32, #tpu.memory_space<hbm>>
      tpu.wait_dma2 semaphore(%run_scoped3A : memref<!tpu.dma_semaphore, #tpu.memory_space<semaphore_mem>>) src(%dma_wait3A_82 : memref<128xi32, #tpu.memory_space<hbm>>) dst(%arg9 : memref<128xi32, #tpu.memory_space<vmem>>)
      tpu.yield
    }) : () -> ()
    "tpu.region"() ({
      %run_scoped3A = tpu.sem_alloc : memref<!tpu.dma_semaphore, #tpu.memory_space<semaphore_mem>>
      %dma_start3A_79 = tpu.memref_slice %arg4[%mul3A_2] : memref<4096xi32, #tpu.memory_space<hbm>> -> memref<128xi32, #tpu.memory_space<hbm>>
      %dma_start3A_80 = tpu.memref_slice %arg4[%mul3A_2] : memref<4096xi32, #tpu.memory_space<hbm>> -> memref<128xi32, #tpu.memory_space<hbm>>
      tpu.enqueue_dma source(%dma_start3A_80 : memref<128xi32, #tpu.memory_space<hbm>>) target(%arg10 : memref<128xi32, #tpu.memory_space<vmem>>) target_semaphore(%run_scoped3A : memref<!tpu.dma_semaphore, #tpu.memory_space<semaphore_mem>>)
      %dma_wait3A_81 = tpu.memref_slice %arg4[%mul3A_2] : memref<4096xi32, #tpu.memory_space<hbm>> -> memref<128xi32, #tpu.memory_space<hbm>>
      %dma_wait3A_82 = tpu.memref_slice %arg4[%mul3A_2] : memref<4096xi32, #tpu.memory_space<hbm>> -> memref<128xi32, #tpu.memory_space<hbm>>
      tpu.wait_dma2 semaphore(%run_scoped3A : memref<!tpu.dma_semaphore, #tpu.memory_space<semaphore_mem>>) src(%dma_wait3A_82 : memref<128xi32, #tpu.memory_space<hbm>>) dst(%arg10 : memref<128xi32, #tpu.memory_space<vmem>>)
      tpu.yield
    }) : () -> ()
    "tpu.region"() ({
      %run_scoped3A = tpu.sem_alloc : memref<!tpu.dma_semaphore, #tpu.memory_space<semaphore_mem>>
      %dma_start3A_79 = arith.constant 0 : i32
      %dma_start3A_80 = tpu.memref_slice %arg11[%dma_start3A_79] : memref<128xi32, #tpu.memory_space<vmem>> -> memref<64xi32, #tpu.memory_space<vmem>>
      %dma_start3A_81 = arith.constant 0 : i32
      %dma_start3A_82 = tpu.memref_slice %arg11[%dma_start3A_81] : memref<128xi32, #tpu.memory_space<vmem>> -> memref<64xi32, #tpu.memory_space<vmem>>
      tpu.enqueue_dma source(%arg5 : memref<64xi32, #tpu.memory_space<hbm>>) target(%dma_start3A_82 : memref<64xi32, #tpu.memory_space<vmem>>) target_semaphore(%run_scoped3A : memref<!tpu.dma_semaphore, #tpu.memory_space<semaphore_mem>>)
      %dma_wait3A_83 = arith.constant 0 : i32
      %dma_wait3A_84 = tpu.memref_slice %arg11[%dma_wait3A_83] : memref<128xi32, #tpu.memory_space<vmem>> -> memref<64xi32, #tpu.memory_space<vmem>>
      %dma_wait3A_85 = arith.constant 0 : i32
      %dma_wait3A_86 = tpu.memref_slice %arg11[%dma_wait3A_85] : memref<128xi32, #tpu.memory_space<vmem>> -> memref<64xi32, #tpu.memory_space<vmem>>
      tpu.wait_dma2 semaphore(%run_scoped3A : memref<!tpu.dma_semaphore, #tpu.memory_space<semaphore_mem>>) src(%arg5 : memref<64xi32, #tpu.memory_space<hbm>>) dst(%dma_wait3A_86 : memref<64xi32, #tpu.memory_space<vmem>>)
      tpu.yield
    }) : () -> ()
    "tpu.region"() ({
      %run_scoped3A = tpu.sem_alloc : memref<!tpu.dma_semaphore, #tpu.memory_space<semaphore_mem>>
      %dma_start3A_79 = tpu.memref_slice %arg6[%mul3A_2] : memref<4096xf32, #tpu.memory_space<hbm>> -> memref<128xf32, #tpu.memory_space<hbm>>
      %dma_start3A_80 = tpu.memref_slice %arg6[%mul3A_2] : memref<4096xf32, #tpu.memory_space<hbm>> -> memref<128xf32, #tpu.memory_space<hbm>>
      tpu.enqueue_dma source(%dma_start3A_80 : memref<128xf32, #tpu.memory_space<hbm>>) target(%arg14 : memref<128xf32, #tpu.memory_space<vmem>>) target_semaphore(%run_scoped3A : memref<!tpu.dma_semaphore, #tpu.memory_space<semaphore_mem>>)
      %dma_wait3A_81 = tpu.memref_slice %arg6[%mul3A_2] : memref<4096xf32, #tpu.memory_space<hbm>> -> memref<128xf32, #tpu.memory_space<hbm>>
      %dma_wait3A_82 = tpu.memref_slice %arg6[%mul3A_2] : memref<4096xf32, #tpu.memory_space<hbm>> -> memref<128xf32, #tpu.memory_space<hbm>>
      tpu.wait_dma2 semaphore(%run_scoped3A : memref<!tpu.dma_semaphore, #tpu.memory_space<semaphore_mem>>) src(%dma_wait3A_82 : memref<128xf32, #tpu.memory_space<hbm>>) dst(%arg14 : memref<128xf32, #tpu.memory_space<vmem>>)
      tpu.yield
    }) : () -> ()
    "tpu.region"() ({
      %run_scoped3A = tpu.sem_alloc : memref<!tpu.dma_semaphore, #tpu.memory_space<semaphore_mem>>
      %dma_start3A_79 = arith.constant 0 : i32
      %dma_start3A_80 = tpu.memref_slice %arg2[%mul3A_2, %dma_start3A_79] : memref<4096x768xf32, #tpu.memory_space<hbm>> -> memref<128x768xf32, #tpu.memory_space<hbm>>
      %dma_start3A_81 = arith.constant 0 : i32
      %dma_start3A_82 = tpu.memref_slice %arg2[%mul3A_2, %dma_start3A_81] : memref<4096x768xf32, #tpu.memory_space<hbm>> -> memref<128x768xf32, #tpu.memory_space<hbm>>
      tpu.enqueue_dma source(%dma_start3A_82 : memref<128x768xf32, #tpu.memory_space<hbm>>) target(%arg13 : memref<128x768xf32, #tpu.memory_space<vmem>>) target_semaphore(%run_scoped3A : memref<!tpu.dma_semaphore, #tpu.memory_space<semaphore_mem>>)
      %dma_wait3A_83 = arith.constant 0 : i32
      %dma_wait3A_84 = tpu.memref_slice %arg2[%mul3A_2, %dma_wait3A_83] : memref<4096x768xf32, #tpu.memory_space<hbm>> -> memref<128x768xf32, #tpu.memory_space<hbm>>
      %dma_wait3A_85 = arith.constant 0 : i32
      %dma_wait3A_86 = tpu.memref_slice %arg2[%mul3A_2, %dma_wait3A_85] : memref<4096x768xf32, #tpu.memory_space<hbm>> -> memref<128x768xf32, #tpu.memory_space<hbm>>
      tpu.wait_dma2 semaphore(%run_scoped3A : memref<!tpu.dma_semaphore, #tpu.memory_space<semaphore_mem>>) src(%dma_wait3A_86 : memref<128x768xf32, #tpu.memory_space<hbm>>) dst(%arg13 : memref<128x768xf32, #tpu.memory_space<vmem>>)
      tpu.yield
    }) : () -> ()
    %get3A = arith.constant 0 : index
    %get3A_3 = tpu.vector_load %arg9[%get3A] {strides = array<i32>} : memref<128xi32, #tpu.memory_space<vmem>>, vector<16xi32>,
    %get3A_4 = arith.constant 0 : index
    %get3A_5 = tpu.vector_load %arg10[%get3A_4] {strides = array<i32>} : memref<128xi32, #tpu.memory_space<vmem>>, vector<16xi32>,
    %gather3A = tpu.vector_load_idx %arg11[%get3A_3] : memref<128xi32, #tpu.memory_space<vmem>>[vector<16xi32>], vector<16xi32>,
    %add3A_6 = arith.addi %gather3A, %get3A_5 : vector<16xi32>
    %swap3A = arith.constant 0 : index
    %swap3A_7 = tpu.vector_load %arg12[%swap3A] {strides = array<i32>} : memref<128xi32, #tpu.memory_space<vmem>>, vector<16xi32>,
    tpu.vector_store %arg12[%swap3A], %add3A_6 {strides = array<i32>} : memref<128xi32, #tpu.memory_space<vmem>>, vector<16xi32>,
    %get3A_8 = arith.constant 16 : index
    %get3A_9 = tpu.vector_load %arg9[%get3A_8] {strides = array<i32>} : memref<128xi32, #tpu.memory_space<vmem>>, vector<16xi32>,
    %get3A_10 = arith.constant 16 : index
    %get3A_11 = tpu.vector_load %arg10[%get3A_10] {strides = array<i32>} : memref<128xi32, #tpu.memory_space<vmem>>, vector<16xi32>,
    %gather3A_12 = tpu.vector_load_idx %arg11[%get3A_9] : memref<128xi32, #tpu.memory_space<vmem>>[vector<16xi32>], vector<16xi32>,
    %add3A_13 = arith.addi %gather3A_12, %get3A_11 : vector<16xi32>
    %swap3A_14 = arith.constant 16 : index
    %swap3A_15 = tpu.vector_load %arg12[%swap3A_14] {strides = array<i32>} : memref<128xi32, #tpu.memory_space<vmem>>, vector<16xi32>,
    tpu.vector_store %arg12[%swap3A_14], %add3A_13 {strides = array<i32>} : memref<128xi32, #tpu.memory_space<vmem>>, vector<16xi32>,
    %get3A_16 = arith.constant 32 : index
    %get3A_17 = tpu.vector_load %arg9[%get3A_16] {strides = array<i32>} : memref<128xi32, #tpu.memory_space<vmem>>, vector<16xi32>,
    %get3A_18 = arith.constant 32 : index
    %get3A_19 = tpu.vector_load %arg10[%get3A_18] {strides = array<i32>} : memref<128xi32, #tpu.memory_space<vmem>>, vector<16xi32>,
    %gather3A_20 = tpu.vector_load_idx %arg11[%get3A_17] : memref<128xi32, #tpu.memory_space<vmem>>[vector<16xi32>], vector<16xi32>,
    %add3A_21 = arith.addi %gather3A_20, %get3A_19 : vector<16xi32>
    %swap3A_22 = arith.constant 32 : index
    %swap3A_23 = tpu.vector_load %arg12[%swap3A_22] {strides = array<i32>} : memref<128xi32, #tpu.memory_space<vmem>>, vector<16xi32>,
    tpu.vector_store %arg12[%swap3A_22], %add3A_21 {strides = array<i32>} : memref<128xi32, #tpu.memory_space<vmem>>, vector<16xi32>,
    %get3A_24 = arith.constant 48 : index
    %get3A_25 = tpu.vector_load %arg9[%get3A_24] {strides = array<i32>} : memref<128xi32, #tpu.memory_space<vmem>>, vector<16xi32>,
    %get3A_26 = arith.constant 48 : index
    %get3A_27 = tpu.vector_load %arg10[%get3A_26] {strides = array<i32>} : memref<128xi32, #tpu.memory_space<vmem>>, vector<16xi32>,
    %gather3A_28 = tpu.vector_load_idx %arg11[%get3A_25] : memref<128xi32, #tpu.memory_space<vmem>>[vector<16xi32>], vector<16xi32>,
    %add3A_29 = arith.addi %gather3A_28, %get3A_27 : vector<16xi32>
    %swap3A_30 = arith.constant 48 : index
    %swap3A_31 = tpu.vector_load %arg12[%swap3A_30] {strides = array<i32>} : memref<128xi32, #tpu.memory_space<vmem>>, vector<16xi32>,
    tpu.vector_store %arg12[%swap3A_30], %add3A_29 {strides = array<i32>} : memref<128xi32, #tpu.memory_space<vmem>>, vector<16xi32>,
    %get3A_32 = arith.constant 64 : index
    %get3A_33 = tpu.vector_load %arg9[%get3A_32] {strides = array<i32>} : memref<128xi32, #tpu.memory_space<vmem>>, vector<16xi32>,
    %get3A_34 = arith.constant 64 : index
    %get3A_35 = tpu.vector_load %arg10[%get3A_34] {strides = array<i32>} : memref<128xi32, #tpu.memory_space<vmem>>, vector<16xi32>,
    %gather3A_36 = tpu.vector_load_idx %arg11[%get3A_33] : memref<128xi32, #tpu.memory_space<vmem>>[vector<16xi32>], vector<16xi32>,
    %add3A_37 = arith.addi %gather3A_36, %get3A_35 : vector<16xi32>
    %swap3A_38 = arith.constant 64 : index
    %swap3A_39 = tpu.vector_load %arg12[%swap3A_38] {strides = array<i32>} : memref<128xi32, #tpu.memory_space<vmem>>, vector<16xi32>,
    tpu.vector_store %arg12[%swap3A_38], %add3A_37 {strides = array<i32>} : memref<128xi32, #tpu.memory_space<vmem>>, vector<16xi32>,
    %get3A_40 = arith.constant 80 : index
    %get3A_41 = tpu.vector_load %arg9[%get3A_40] {strides = array<i32>} : memref<128xi32, #tpu.memory_space<vmem>>, vector<16xi32>,
    %get3A_42 = arith.constant 80 : index
    %get3A_43 = tpu.vector_load %arg10[%get3A_42] {strides = array<i32>} : memref<128xi32, #tpu.memory_space<vmem>>, vector<16xi32>,
    %gather3A_44 = tpu.vector_load_idx %arg11[%get3A_41] : memref<128xi32, #tpu.memory_space<vmem>>[vector<16xi32>], vector<16xi32>,
    %add3A_45 = arith.addi %gather3A_44, %get3A_43 : vector<16xi32>
    %swap3A_46 = arith.constant 80 : index
    %swap3A_47 = tpu.vector_load %arg12[%swap3A_46] {strides = array<i32>} : memref<128xi32, #tpu.memory_space<vmem>>, vector<16xi32>,
    tpu.vector_store %arg12[%swap3A_46], %add3A_45 {strides = array<i32>} : memref<128xi32, #tpu.memory_space<vmem>>, vector<16xi32>,
    %get3A_48 = arith.constant 96 : index
    %get3A_49 = tpu.vector_load %arg9[%get3A_48] {strides = array<i32>} : memref<128xi32, #tpu.memory_space<vmem>>, vector<16xi32>,
    %get3A_50 = arith.constant 96 : index
    %get3A_51 = tpu.vector_load %arg10[%get3A_50] {strides = array<i32>} : memref<128xi32, #tpu.memory_space<vmem>>, vector<16xi32>,
    %gather3A_52 = tpu.vector_load_idx %arg11[%get3A_49] : memref<128xi32, #tpu.memory_space<vmem>>[vector<16xi32>], vector<16xi32>,
    %add3A_53 = arith.addi %gather3A_52, %get3A_51 : vector<16xi32>
    %swap3A_54 = arith.constant 96 : index
    %swap3A_55 = tpu.vector_load %arg12[%swap3A_54] {strides = array<i32>} : memref<128xi32, #tpu.memory_space<vmem>>, vector<16xi32>,
    tpu.vector_store %arg12[%swap3A_54], %add3A_53 {strides = array<i32>} : memref<128xi32, #tpu.memory_space<vmem>>, vector<16xi32>,
    %get3A_56 = arith.constant 112 : index
    %get3A_57 = tpu.vector_load %arg9[%get3A_56] {strides = array<i32>} : memref<128xi32, #tpu.memory_space<vmem>>, vector<16xi32>,
    %get3A_58 = arith.constant 112 : index
    %get3A_59 = tpu.vector_load %arg10[%get3A_58] {strides = array<i32>} : memref<128xi32, #tpu.memory_space<vmem>>, vector<16xi32>,
    %gather3A_60 = tpu.vector_load_idx %arg11[%get3A_57] : memref<128xi32, #tpu.memory_space<vmem>>[vector<16xi32>], vector<16xi32>,
    %add3A_61 = arith.addi %gather3A_60, %get3A_59 : vector<16xi32>
    %swap3A_62 = arith.constant 112 : index
    %swap3A_63 = tpu.vector_load %arg12[%swap3A_62] {strides = array<i32>} : memref<128xi32, #tpu.memory_space<vmem>>, vector<16xi32>,
    tpu.vector_store %arg12[%swap3A_62], %add3A_61 {strides = array<i32>} : memref<128xi32, #tpu.memory_space<vmem>>, vector<16xi32>,
    %scan3A = arith.constant 0 : i32
    %scan3A_64 = arith.constant 0 : i32
    %scan3A_65 = arith.constant 128 : i32
    %scan3A_66 = arith.addi %scan3A_64, %scan3A_65 : i32
    %scan3A_67 = arith.constant 1 : i32
    scf.for %scan3A_79 = %scan3A_64 to %scan3A_66 step %scan3A_67  : i32 {
      %broadcast_in_dim3A = vector.broadcast %scan3A_79 : i32 to vector<16xi32>
      %gather3A_80 = tpu.vector_load_idx %arg14[%broadcast_in_dim3A] : memref<128xf32, #tpu.memory_space<vmem>>[vector<16xi32>], vector<16xf32>,
      %swap3A_81 = arith.index_cast %scan3A_79 : i32 to index
      %swap3A_82 = arith.constant 0 : index
      %swap3A_83 = tpu.vector_load %arg15[%swap3A_81, %swap3A_82] {strides = array<i32>} : memref<128x128xf32, #tpu.memory_space<vmem>>, vector<16xf32>,
      tpu.vector_store %arg15[%swap3A_81, %swap3A_82], %gather3A_80 {strides = array<i32>} : memref<128x128xf32, #tpu.memory_space<vmem>>, vector<16xf32>,
      %swap3A_84 = arith.index_cast %scan3A_79 : i32 to index
      %swap3A_85 = arith.constant 16 : index
      %swap3A_86 = tpu.vector_load %arg15[%swap3A_84, %swap3A_85] {strides = array<i32>} : memref<128x128xf32, #tpu.memory_space<vmem>>, vector<16xf32>,
      tpu.vector_store %arg15[%swap3A_84, %swap3A_85], %gather3A_80 {strides = array<i32>} : memref<128x128xf32, #tpu.memory_space<vmem>>, vector<16xf32>,
      %swap3A_87 = arith.index_cast %scan3A_79 : i32 to index
      %swap3A_88 = arith.constant 32 : index
      %swap3A_89 = tpu.vector_load %arg15[%swap3A_87, %swap3A_88] {strides = array<i32>} : memref<128x128xf32, #tpu.memory_space<vmem>>, vector<16xf32>,
      tpu.vector_store %arg15[%swap3A_87, %swap3A_88], %gather3A_80 {strides = array<i32>} : memref<128x128xf32, #tpu.memory_space<vmem>>, vector<16xf32>,
      %swap3A_90 = arith.index_cast %scan3A_79 : i32 to index
      %swap3A_91 = arith.constant 48 : index
      %swap3A_92 = tpu.vector_load %arg15[%swap3A_90, %swap3A_91] {strides = array<i32>} : memref<128x128xf32, #tpu.memory_space<vmem>>, vector<16xf32>,
      tpu.vector_store %arg15[%swap3A_90, %swap3A_91], %gather3A_80 {strides = array<i32>} : memref<128x128xf32, #tpu.memory_space<vmem>>, vector<16xf32>,
      %swap3A_93 = arith.index_cast %scan3A_79 : i32 to index
      %swap3A_94 = arith.constant 64 : index
      %swap3A_95 = tpu.vector_load %arg15[%swap3A_93, %swap3A_94] {strides = array<i32>} : memref<128x128xf32, #tpu.memory_space<vmem>>, vector<16xf32>,
      tpu.vector_store %arg15[%swap3A_93, %swap3A_94], %gather3A_80 {strides = array<i32>} : memref<128x128xf32, #tpu.memory_space<vmem>>, vector<16xf32>,
      %swap3A_96 = arith.index_cast %scan3A_79 : i32 to index
      %swap3A_97 = arith.constant 80 : index
      %swap3A_98 = tpu.vector_load %arg15[%swap3A_96, %swap3A_97] {strides = array<i32>} : memref<128x128xf32, #tpu.memory_space<vmem>>, vector<16xf32>,
      tpu.vector_store %arg15[%swap3A_96, %swap3A_97], %gather3A_80 {strides = array<i32>} : memref<128x128xf32, #tpu.memory_space<vmem>>, vector<16xf32>,
      %swap3A_99 = arith.index_cast %scan3A_79 : i32 to index
      %swap3A_100 = arith.constant 96 : index
      %swap3A_101 = tpu.vector_load %arg15[%swap3A_99, %swap3A_100] {strides = array<i32>} : memref<128x128xf32, #tpu.memory_space<vmem>>, vector<16xf32>,
      tpu.vector_store %arg15[%swap3A_99, %swap3A_100], %gather3A_80 {strides = array<i32>} : memref<128x128xf32, #tpu.memory_space<vmem>>, vector<16xf32>,
      %swap3A_102 = arith.index_cast %scan3A_79 : i32 to index
      %swap3A_103 = arith.constant 112 : index
      %swap3A_104 = tpu.vector_load %arg15[%swap3A_102, %swap3A_103] {strides = array<i32>} : memref<128x128xf32, #tpu.memory_space<vmem>>, vector<16xf32>,
      tpu.vector_store %arg15[%swap3A_102, %swap3A_103], %gather3A_80 {strides = array<i32>} : memref<128x128xf32, #tpu.memory_space<vmem>>, vector<16xf32>,
    }
    %scan3A_68 = arith.constant 128 : i32
    %dma_start3A = arith.constant 0 : i32
    %dma_start3A_69 = arith.constant 0 : i32
    %dma_start3A_70 = tpu.memref_slice %arg7[%dma_start3A, %dma_start3A_69] : memref<12288x768xf32, #tpu.memory_space<hbm>> -> memref<12288x768xf32, #tpu.memory_space<hbm>>
    tpu.enqueue_indirect_dma source(%arg13 : memref<128x768xf32, #tpu.memory_space<vmem>>) target(%dma_start3A_70 : memref<12288x768xf32, #tpu.memory_space<hbm>>) offsets(%arg12 : memref<128xi32, #tpu.memory_space<vmem>>) semaphore(%arg16 : memref<!tpu.dma_semaphore, #tpu.memory_space<semaphore_mem>>)
    %dma_start3A_71 = arith.constant 0 : i32
    %dma_start3A_72 = arith.constant 0 : i32
    %dma_start3A_73 = tpu.memref_slice %arg8[%dma_start3A_71, %dma_start3A_72] : memref<12288x128xf32, #tpu.memory_space<hbm>> -> memref<12288x128xf32, #tpu.memory_space<hbm>>
    tpu.enqueue_indirect_dma source(%arg15 : memref<128x128xf32, #tpu.memory_space<vmem>>) target(%dma_start3A_73 : memref<12288x128xf32, #tpu.memory_space<hbm>>) offsets(%arg12 : memref<128xi32, #tpu.memory_space<vmem>>) semaphore(%arg17 : memref<!tpu.dma_semaphore, #tpu.memory_space<semaphore_mem>>)
    %dma_wait3A = arith.constant 0 : i32
    %dma_wait3A_74 = arith.constant 0 : i32
    %dma_wait3A_75 = tpu.memref_slice %arg7[%dma_wait3A, %dma_wait3A_74] : memref<12288x768xf32, #tpu.memory_space<hbm>> -> memref<12288x768xf32, #tpu.memory_space<hbm>>
    tpu.wait_indirect_dma semaphore(%arg16 : memref<!tpu.dma_semaphore, #tpu.memory_space<semaphore_mem>>) src(%arg13 : memref<128x768xf32, #tpu.memory_space<vmem>>) dst(%dma_wait3A_75 : memref<12288x768xf32, #tpu.memory_space<hbm>>)
    %dma_wait3A_76 = arith.constant 0 : i32
    %dma_wait3A_77 = arith.constant 0 : i32
    %dma_wait3A_78 = tpu.memref_slice %arg8[%dma_wait3A_76, %dma_wait3A_77] : memref<12288x128xf32, #tpu.memory_space<hbm>> -> memref<12288x128xf32, #tpu.memory_space<hbm>>
    tpu.wait_indirect_dma semaphore(%arg17 : memref<!tpu.dma_semaphore, #tpu.memory_space<semaphore_mem>>) src(%arg15 : memref<128x128xf32, #tpu.memory_space<vmem>>) dst(%dma_wait3A_78 : memref<12288x128xf32, #tpu.memory_space<hbm>>)
    return
  }
}

module attributes {stable_mosaic.version = 14 : i64} {
  func.func @_router_kernel(%arg0: i32, %arg1: memref<512x768xf32, #tpu.memory_space<vmem>>, %arg2: memref<768x64xf32, #tpu.memory_space<vmem>>, %arg3: memref<1x64xf32, #tpu.memory_space<vmem>>, %arg4: memref<1x1x512xi32, #tpu.memory_space<vmem>>, %arg5: memref<1x1x512xi32, #tpu.memory_space<vmem>>, %arg6: memref<1x1x512xf32, #tpu.memory_space<vmem>>, %arg7: memref<1x64xi32, #tpu.memory_space<vmem>>, %arg8: memref<8x64xf32, #tpu.memory_space<vmem>>) attributes {dimension_semantics = [#tpu.dimension_semantics<arbitrary>], iteration_bounds = array<i64: 8>, scalar_prefetch = 0 : i64, scratch_operands = 1 : i64, tpu.core_type = #tpu.core_type<tc>, window_params = [{transform_indices = @transform_0, window_bounds = array<i64: 512, 768>}, {pipeline_mode = #tpu.pipeline_mode<synchronous>, transform_indices = @transform_1, window_bounds = array<i64: 768, 64>}, {pipeline_mode = #tpu.pipeline_mode<synchronous>, transform_indices = @transform_2, window_bounds = array<i64: 1, 64>}, {transform_indices = @transform_3, window_bounds = array<i64: 1, 1, 512>}, {transform_indices = @transform_4, window_bounds = array<i64: 1, 1, 512>}, {transform_indices = @transform_5, window_bounds = array<i64: 1, 1, 512>}, {pipeline_mode = #tpu.pipeline_mode<synchronous>, transform_indices = @transform_6, window_bounds = array<i64: 1, 64>}]} {
    %eq3A = arith.constant 0 : i32
    %eq3A_0 = arith.cmpi eq, %arg0, %eq3A : i32
    %convert_element_type3A = arith.extui %eq3A_0 : i1 to i32
    %cond3A = arith.constant 0 : i32
    %cond3A_1 = arith.cmpi ne, %convert_element_type3A, %cond3A : i32
    scf.if %cond3A_1 {
      %broadcast_in_dim3A_75 = arith.constant 0.000000e+00 : f32
      %broadcast_in_dim3A_76 = vector.broadcast %broadcast_in_dim3A_75 : f32 to vector<8x64xf32>
      %swap3A_77 = arith.constant 0 : index
      %swap3A_78 = arith.constant 0 : index
      %swap3A_79 = vector.load %arg8[%swap3A_77, %swap3A_78] : memref<8x64xf32, #tpu.memory_space<vmem>>, vector<8x64xf32>
      tpu.vector_store %arg8[%swap3A_77, %swap3A_78], %broadcast_in_dim3A_76 {strides = array<i32>} : memref<8x64xf32, #tpu.memory_space<vmem>>, vector<8x64xf32>,
    } else {
    }
    %get3A = arith.constant 0 : index
    %get3A_2 = arith.constant 0 : index
    %get3A_3 = vector.load %arg1[%get3A, %get3A_2] : memref<512x768xf32, #tpu.memory_space<vmem>>, vector<512x768xf32>
    %get3A_4 = arith.constant 0 : index
    %get3A_5 = arith.constant 0 : index
    %get3A_6 = vector.load %arg2[%get3A_4, %get3A_5] : memref<768x64xf32, #tpu.memory_space<vmem>>, vector<768x64xf32>
    %dot_general3A = arith.constant dense<0.000000e+00> : vector<512x64xf32>
    %dot_general3A_7 = tpu.matmul %get3A_3, %get3A_6, %dot_general3A {dimension_numbers = #tpu.dot_dimension_numbers<[1], [0], [0], [1], [0, 0, 1, 1], [], []>, transpose_lhs_hint = false} : vector<512x768xf32>, vector<768x64xf32>, vector<512x64xf32> -> vector<512x64xf32>
    %get3A_8 = arith.constant 0 : index
    %get3A_9 = arith.constant 0 : index
    %get3A_10 = vector.load %arg3[%get3A_8, %get3A_9] : memref<1x64xf32, #tpu.memory_space<vmem>>, vector<1x64xf32>
    %get3A_11 = vector.shape_cast %get3A_10 : vector<1x64xf32> to vector<64xf32>
    %broadcast_in_dim3A = vector.shape_cast %get3A_11 : vector<64xf32> to vector<1x64xf32>
    %add3A = vector.broadcast %broadcast_in_dim3A : vector<1x64xf32> to vector<512x64xf32>
    %add3A_12 = arith.addf %dot_general3A_7, %add3A : vector<512x64xf32>
    %reduce_max3A = arith.constant dense<0xFF800000> : vector<512xf32>
    %reduce_max3A_13 = vector.multi_reduction <maximumf>, %add3A_12, %reduce_max3A [1] : vector<512x64xf32> to vector<512xf32>
    %broadcast_in_dim3A_14 = vector.shape_cast %reduce_max3A_13 : vector<512xf32> to vector<512x1xf32>
    %sub3A = vector.broadcast %broadcast_in_dim3A_14 : vector<512x1xf32> to vector<512x64xf32>
    %sub3A_15 = arith.subf %add3A_12, %sub3A : vector<512x64xf32>
    %exp3A = math.exp %sub3A_15 : vector<512x64xf32>
    %reduce_sum3A = arith.constant dense<0.000000e+00> : vector<512xf32>
    %reduce_sum3A_16 = vector.multi_reduction <add>, %exp3A, %reduce_sum3A [1] : vector<512x64xf32> to vector<512xf32>
    %div3A = arith.constant 1.000000e+00 : f32
    %div3A_17 = vector.broadcast %div3A : f32 to vector<512xf32>
    %div3A_18 = arith.divf %div3A_17, %reduce_sum3A_16 : vector<512xf32>
    %iota3A = tpu.iota {dimensions = array<i32: 1>} : vector<512x64xi32>
    %eq3A_19 = vector.broadcast %broadcast_in_dim3A_14 : vector<512x1xf32> to vector<512x64xf32>
    %eq3A_20 = arith.cmpf oeq, %add3A_12, %eq3A_19 : vector<512x64xf32>
    %jit3A = arith.constant 64 : i32
    %broadcast_in_dim3A_21 = vector.broadcast %jit3A : i32 to vector<512x64xi32>
    %select_n3A = arith.select %eq3A_20, %iota3A, %broadcast_in_dim3A_21 : vector<512x64xi1>, vector<512x64xi32>
    %reduce_min3A = arith.constant dense<2147483647> : vector<512xi32>
    %reduce_min3A_22 = vector.multi_reduction <minsi>, %select_n3A, %reduce_min3A [1] : vector<512x64xi32> to vector<512xi32>
    %broadcast_in_dim3A_23 = vector.shape_cast %reduce_min3A_22 : vector<512xi32> to vector<512x1xi32>
    %eq3A_24 = vector.broadcast %broadcast_in_dim3A_23 : vector<512x1xi32> to vector<512x64xi32>
    %eq3A_25 = arith.cmpi eq, %iota3A, %eq3A_24 : vector<512x64xi32>
    %convert_element_type3A_26 = arith.extui %eq3A_25 : vector<512x64xi1> to vector<512x64xi32>
    %convert_element_type3A_27 = arith.sitofp %convert_element_type3A_26 : vector<512x64xi32> to vector<512x64xf32>
    %iota3A_28 = tpu.iota {dimensions = array<i32: 0>} : vector<512x512xi32>
    %iota3A_29 = tpu.iota {dimensions = array<i32: 1>} : vector<512x512xi32>
    %gt3A = arith.cmpi sgt, %iota3A_28, %iota3A_29 : vector<512x512xi32>
    %convert_element_type3A_30 = arith.extui %gt3A : vector<512x512xi1> to vector<512x512xi32>
    %convert_element_type3A_31 = arith.sitofp %convert_element_type3A_30 : vector<512x512xi32> to vector<512x512xf32>
    %dot_general3A_32 = arith.constant dense<0.000000e+00> : vector<512x64xf32>
    %dot_general3A_33 = tpu.matmul %convert_element_type3A_31, %convert_element_type3A_27, %dot_general3A_32 {dimension_numbers = #tpu.dot_dimension_numbers<[1], [0], [0], [1], [0, 0, 1, 1], [], []>, transpose_lhs_hint = false} : vector<512x512xf32>, vector<512x64xf32>, vector<512x64xf32> -> vector<512x64xf32>
    %get3A_34 = arith.constant 0 : index
    %get3A_35 = arith.constant 0 : index
    %get3A_36 = vector.load %arg8[%get3A_34, %get3A_35] : memref<8x64xf32, #tpu.memory_space<vmem>>, vector<1x64xf32>
    %get3A_37 = vector.shape_cast %get3A_36 : vector<1x64xf32> to vector<64xf32>
    %broadcast_in_dim3A_38 = vector.shape_cast %get3A_37 : vector<64xf32> to vector<1x64xf32>
    %add3A_39 = vector.broadcast %broadcast_in_dim3A_38 : vector<1x64xf32> to vector<512x64xf32>
    %add3A_40 = arith.addf %dot_general3A_33, %add3A_39 : vector<512x64xf32>
    %mul3A = arith.mulf %add3A_40, %convert_element_type3A_27 : vector<512x64xf32>
    %reduce_sum3A_41 = arith.constant dense<0.000000e+00> : vector<512xf32>
    %reduce_sum3A_42 = vector.multi_reduction <add>, %mul3A, %reduce_sum3A_41 [1] : vector<512x64xf32> to vector<512xf32>
    %reduce_sum3A_43 = arith.constant dense<0.000000e+00> : vector<64xf32>
    %reduce_sum3A_44 = vector.multi_reduction <add>, %convert_element_type3A_27, %reduce_sum3A_43 [0] : vector<512x64xf32> to vector<64xf32>
    %add3A_45 = arith.addf %get3A_37, %reduce_sum3A_44 : vector<64xf32>
    %swap3A = arith.constant 0 : index
    %swap3A_46 = arith.constant 0 : index
    %swap3A_47 = vector.load %arg8[%swap3A, %swap3A_46] : memref<8x64xf32, #tpu.memory_space<vmem>>, vector<1x64xf32>
    %swap3A_48 = vector.shape_cast %swap3A_47 : vector<1x64xf32> to vector<64xf32>
    %swap3A_49 = vector.shape_cast %add3A_45 : vector<64xf32> to vector<1x64xf32>
    tpu.vector_store %arg8[%swap3A, %swap3A_46], %swap3A_49 {strides = array<i32>} : memref<8x64xf32, #tpu.memory_space<vmem>>, vector<1x64xf32>,
    %swap3A_50 = arith.constant 0 : index
    %swap3A_51 = arith.constant 0 : index
    %swap3A_52 = arith.constant 0 : index
    %swap3A_53 = vector.load %arg4[%swap3A_50, %swap3A_51, %swap3A_52] : memref<1x1x512xi32, #tpu.memory_space<vmem>>, vector<1x1x512xi32>
    %swap3A_54 = vector.shape_cast %swap3A_53 : vector<1x1x512xi32> to vector<512xi32>
    %swap3A_55 = vector.shape_cast %reduce_min3A_22 : vector<512xi32> to vector<1x1x512xi32>
    tpu.vector_store %arg4[%swap3A_50, %swap3A_51, %swap3A_52], %swap3A_55 {strides = array<i32>} : memref<1x1x512xi32, #tpu.memory_space<vmem>>, vector<1x1x512xi32>,
    %convert_element_type3A_56 = arith.fptosi %reduce_sum3A_42 : vector<512xf32> to vector<512xi32>
    %swap3A_57 = arith.constant 0 : index
    %swap3A_58 = arith.constant 0 : index
    %swap3A_59 = arith.constant 0 : index
    %swap3A_60 = vector.load %arg5[%swap3A_57, %swap3A_58, %swap3A_59] : memref<1x1x512xi32, #tpu.memory_space<vmem>>, vector<1x1x512xi32>
    %swap3A_61 = vector.shape_cast %swap3A_60 : vector<1x1x512xi32> to vector<512xi32>
    %swap3A_62 = vector.shape_cast %convert_element_type3A_56 : vector<512xi32> to vector<1x1x512xi32>
    tpu.vector_store %arg5[%swap3A_57, %swap3A_58, %swap3A_59], %swap3A_62 {strides = array<i32>} : memref<1x1x512xi32, #tpu.memory_space<vmem>>, vector<1x1x512xi32>,
    %swap3A_63 = arith.constant 0 : index
    %swap3A_64 = arith.constant 0 : index
    %swap3A_65 = arith.constant 0 : index
    %swap3A_66 = vector.load %arg6[%swap3A_63, %swap3A_64, %swap3A_65] : memref<1x1x512xf32, #tpu.memory_space<vmem>>, vector<1x1x512xf32>
    %swap3A_67 = vector.shape_cast %swap3A_66 : vector<1x1x512xf32> to vector<512xf32>
    %swap3A_68 = vector.shape_cast %div3A_18 : vector<512xf32> to vector<1x1x512xf32>
    tpu.vector_store %arg6[%swap3A_63, %swap3A_64, %swap3A_65], %swap3A_68 {strides = array<i32>} : memref<1x1x512xf32, #tpu.memory_space<vmem>>, vector<1x1x512xf32>,
    %convert_element_type3A_69 = arith.fptosi %add3A_45 : vector<64xf32> to vector<64xi32>
    %swap3A_70 = arith.constant 0 : index
    %swap3A_71 = arith.constant 0 : index
    %swap3A_72 = vector.load %arg7[%swap3A_70, %swap3A_71] : memref<1x64xi32, #tpu.memory_space<vmem>>, vector<1x64xi32>
    %swap3A_73 = vector.shape_cast %swap3A_72 : vector<1x64xi32> to vector<64xi32>
    %swap3A_74 = vector.shape_cast %convert_element_type3A_69 : vector<64xi32> to vector<1x64xi32>
    tpu.vector_store %arg7[%swap3A_70, %swap3A_71], %swap3A_74 {strides = array<i32>} : memref<1x64xi32, #tpu.memory_space<vmem>>, vector<1x64xi32>,
    return
  }
  func.func @transform_0(%arg0: i32) -> (i32, i32) {
    %c0_i32 = arith.constant 0 : i32
    %c0_i32_0 = arith.constant 0 : i32
    return %arg0, %c0_i32 : i32, i32
  }
  func.func @transform_1(%arg0: i32) -> (i32, i32) {
    %c0_i32 = arith.constant 0 : i32
    %c0_i32_0 = arith.constant 0 : i32
    %c0_i32_1 = arith.constant 0 : i32
    return %c0_i32, %c0_i32_0 : i32, i32
  }
  func.func @transform_2(%arg0: i32) -> (i32, i32) {
    %c0_i32 = arith.constant 0 : i32
    %c0_i32_0 = arith.constant 0 : i32
    %c0_i32_1 = arith.constant 0 : i32
    return %c0_i32, %c0_i32_0 : i32, i32
  }
  func.func @transform_3(%arg0: i32) -> (i32, i32, i32) {
    %c0_i32 = arith.constant 0 : i32
    %c0_i32_0 = arith.constant 0 : i32
    %c0_i32_1 = arith.constant 0 : i32
    return %arg0, %c0_i32, %c0_i32_0 : i32, i32, i32
  }
  func.func @transform_4(%arg0: i32) -> (i32, i32, i32) {
    %c0_i32 = arith.constant 0 : i32
    %c0_i32_0 = arith.constant 0 : i32
    %c0_i32_1 = arith.constant 0 : i32
    return %arg0, %c0_i32, %c0_i32_0 : i32, i32, i32
  }
  func.func @transform_5(%arg0: i32) -> (i32, i32, i32) {
    %c0_i32 = arith.constant 0 : i32
    %c0_i32_0 = arith.constant 0 : i32
    %c0_i32_1 = arith.constant 0 : i32
    return %arg0, %c0_i32, %c0_i32_0 : i32, i32, i32
  }
  func.func @transform_6(%arg0: i32) -> (i32, i32) {
    %c0_i32 = arith.constant 0 : i32
    %c0_i32_0 = arith.constant 0 : i32
    %c0_i32_1 = arith.constant 0 : i32
    return %c0_i32, %c0_i32_0 : i32, i32
  }
}

module attributes {stable_mosaic.version = 14 : i64} {
  func.func @_ffn_kernel(%arg0: i32, %arg1: memref<96xi32, #tpu.memory_space<smem>>, %arg2: memref<1xi32, #tpu.memory_space<smem>>, %arg3: memref<128x768xf32, #tpu.memory_space<vmem>>, %arg4: memref<1x128x128xf32, #tpu.memory_space<vmem>>, %arg5: memref<1x768x128xf32, #tpu.memory_space<vmem>>, %arg6: memref<64x128xf32, #tpu.memory_space<vmem>>, %arg7: memref<1x128x768xf32, #tpu.memory_space<vmem>>, %arg8: memref<64x768xf32, #tpu.memory_space<vmem>>, %arg9: memref<128x768xf32, #tpu.memory_space<vmem>>) attributes {dimension_semantics = [#tpu.dimension_semantics<arbitrary>], iteration_bounds = array<i64: 96>, scalar_prefetch = 2 : i64, scratch_operands = 0 : i64, tpu.core_type = #tpu.core_type<tc>, window_params = [{transform_indices = @transform_0, window_bounds = array<i64: 128, 768>}, {transform_indices = @transform_1, window_bounds = array<i64: 1, 128, 128>}, {transform_indices = @transform_2, window_bounds = array<i64: 1, 768, 128>}, {pipeline_mode = #tpu.pipeline_mode<synchronous>, transform_indices = @transform_3, window_bounds = array<i64: 64, 128>}, {transform_indices = @transform_4, window_bounds = array<i64: 1, 128, 768>}, {pipeline_mode = #tpu.pipeline_mode<synchronous>, transform_indices = @transform_5, window_bounds = array<i64: 64, 768>}, {transform_indices = @transform_6, window_bounds = array<i64: 128, 768>}]} {
    %get3A = arith.constant 0 : index
    %get3A_0 = memref.load %arg2[%get3A] : memref<1xi32, #tpu.memory_space<smem>>
    %lt3A = arith.cmpi slt, %arg0, %get3A_0 : i32
    %convert_element_type3A = arith.extui %lt3A : i1 to i32
    %cond3A = arith.constant 0 : i32
    %cond3A_1 = arith.cmpi ne, %convert_element_type3A, %cond3A : i32
    scf.if %cond3A_1 {
      %get3A_2 = arith.constant 0 : index
      %get3A_3 = memref.load %arg2[%get3A_2] : memref<1xi32, #tpu.memory_space<smem>>
      %sub3A = arith.constant 1 : i32
      %sub3A_4 = arith.subi %get3A_3, %sub3A : i32
      %min3A = arith.minsi %arg0, %sub3A_4 : i32
      %get3A_5 = arith.index_cast %min3A : i32 to index
      %get3A_6 = memref.load %arg1[%get3A_5] : memref<96xi32, #tpu.memory_space<smem>>
      %get3A_7 = arith.constant 0 : index
      %get3A_8 = arith.constant 0 : index
      %get3A_9 = vector.load %arg3[%get3A_7, %get3A_8] : memref<128x768xf32, #tpu.memory_space<vmem>>, vector<128x768xf32>
      %get3A_10 = arith.constant 0 : index
      %get3A_11 = arith.constant 0 : index
      %get3A_12 = arith.constant 0 : index
      %get3A_13 = vector.load %arg5[%get3A_10, %get3A_11, %get3A_12] : memref<1x768x128xf32, #tpu.memory_space<vmem>>, vector<1x768x128xf32>
      %get3A_14 = vector.shape_cast %get3A_13 : vector<1x768x128xf32> to vector<768x128xf32>
      %dot_general3A = arith.constant dense<0.000000e+00> : vector<128x128xf32>
      %dot_general3A_15 = tpu.matmul %get3A_9, %get3A_14, %dot_general3A {dimension_numbers = #tpu.dot_dimension_numbers<[1], [0], [0], [1], [0, 0, 1, 1], [], []>, transpose_lhs_hint = false} : vector<128x768xf32>, vector<768x128xf32>, vector<128x128xf32> -> vector<128x128xf32>
      %get3A_16 = arith.index_cast %get3A_6 : i32 to index
      %get3A_17 = arith.constant 0 : index
      %get3A_18 = vector.load %arg6[%get3A_16, %get3A_17] : memref<64x128xf32, #tpu.memory_space<vmem>>, vector<1x128xf32>
      %add3A = vector.broadcast %get3A_18 : vector<1x128xf32> to vector<128x128xf32>
      %add3A_19 = arith.addf %dot_general3A_15, %add3A : vector<128x128xf32>
      %max3A = arith.constant 0.000000e+00 : f32
      %max3A_20 = vector.broadcast %max3A : f32 to vector<128x128xf32>
      %max3A_21 = arith.maximumf %add3A_19, %max3A_20 : vector<128x128xf32>
      %get3A_22 = arith.constant 0 : index
      %get3A_23 = arith.constant 0 : index
      %get3A_24 = arith.constant 0 : index
      %get3A_25 = vector.load %arg7[%get3A_22, %get3A_23, %get3A_24] : memref<1x128x768xf32, #tpu.memory_space<vmem>>, vector<1x128x768xf32>
      %get3A_26 = vector.shape_cast %get3A_25 : vector<1x128x768xf32> to vector<128x768xf32>
      %dot_general3A_27 = arith.constant dense<0.000000e+00> : vector<128x768xf32>
      %dot_general3A_28 = tpu.matmul %max3A_21, %get3A_26, %dot_general3A_27 {dimension_numbers = #tpu.dot_dimension_numbers<[1], [0], [0], [1], [0, 0, 1, 1], [], []>, transpose_lhs_hint = false} : vector<128x128xf32>, vector<128x768xf32>, vector<128x768xf32> -> vector<128x768xf32>
      %get3A_29 = arith.index_cast %get3A_6 : i32 to index
      %get3A_30 = arith.constant 0 : index
      %get3A_31 = vector.load %arg8[%get3A_29, %get3A_30] : memref<64x768xf32, #tpu.memory_space<vmem>>, vector<1x768xf32>
      %add3A_32 = vector.broadcast %get3A_31 : vector<1x768xf32> to vector<128x768xf32>
      %add3A_33 = arith.addf %dot_general3A_28, %add3A_32 : vector<128x768xf32>
      %get3A_34 = arith.constant 0 : index
      %get3A_35 = arith.constant 0 : index
      %get3A_36 = arith.constant 0 : index
      %get3A_37 = vector.load %arg4[%get3A_34, %get3A_35, %get3A_36] : memref<1x128x128xf32, #tpu.memory_space<vmem>>, vector<1x128x1xf32>
      %get3A_38 = vector.shape_cast %get3A_37 : vector<1x128x1xf32> to vector<128xf32>
      %broadcast_in_dim3A = vector.shape_cast %get3A_38 : vector<128xf32> to vector<128x1xf32>
      %mul3A = vector.broadcast %broadcast_in_dim3A : vector<128x1xf32> to vector<128x768xf32>
      %mul3A_39 = arith.mulf %add3A_33, %mul3A : vector<128x768xf32>
      %swap3A = arith.constant 0 : index
      %swap3A_40 = arith.constant 0 : index
      %swap3A_41 = vector.load %arg9[%swap3A, %swap3A_40] : memref<128x768xf32, #tpu.memory_space<vmem>>, vector<128x768xf32>
      tpu.vector_store %arg9[%swap3A, %swap3A_40], %mul3A_39 {strides = array<i32>} : memref<128x768xf32, #tpu.memory_space<vmem>>, vector<128x768xf32>,
    } else {
    }
    return
  }
  func.func @transform_0(%arg0: i32, %arg1: memref<96xi32, #tpu.memory_space<smem>>, %arg2: memref<1xi32, #tpu.memory_space<smem>>) -> (i32, i32) {
    %get3A = arith.constant 0 : index
    %get3A_0 = memref.load %arg2[%get3A] : memref<1xi32, #tpu.memory_space<smem>>
    %sub3A = arith.constant 1 : i32
    %sub3A_1 = arith.subi %get3A_0, %sub3A : i32
    %min3A = arith.minsi %arg0, %sub3A_1 : i32
    %c0_i32 = arith.constant 0 : i32
    %c0_i32_2 = arith.constant 0 : i32
    return %min3A, %c0_i32 : i32, i32
  }
  func.func @transform_1(%arg0: i32, %arg1: memref<96xi32, #tpu.memory_space<smem>>, %arg2: memref<1xi32, #tpu.memory_space<smem>>) -> (i32, i32, i32) {
    %get3A = arith.constant 0 : index
    %get3A_0 = memref.load %arg2[%get3A] : memref<1xi32, #tpu.memory_space<smem>>
    %sub3A = arith.constant 1 : i32
    %sub3A_1 = arith.subi %get3A_0, %sub3A : i32
    %min3A = arith.minsi %arg0, %sub3A_1 : i32
    %c0_i32 = arith.constant 0 : i32
    %c0_i32_2 = arith.constant 0 : i32
    %c0_i32_3 = arith.constant 0 : i32
    return %min3A, %c0_i32, %c0_i32_2 : i32, i32, i32
  }
  func.func @transform_2(%arg0: i32, %arg1: memref<96xi32, #tpu.memory_space<smem>>, %arg2: memref<1xi32, #tpu.memory_space<smem>>) -> (i32, i32, i32) {
    %get3A = arith.constant 0 : index
    %get3A_0 = memref.load %arg2[%get3A] : memref<1xi32, #tpu.memory_space<smem>>
    %sub3A = arith.constant 1 : i32
    %sub3A_1 = arith.subi %get3A_0, %sub3A : i32
    %min3A = arith.minsi %arg0, %sub3A_1 : i32
    %get3A_2 = arith.index_cast %min3A : i32 to index
    %get3A_3 = memref.load %arg1[%get3A_2] : memref<96xi32, #tpu.memory_space<smem>>
    %c0_i32 = arith.constant 0 : i32
    %c0_i32_4 = arith.constant 0 : i32
    %c0_i32_5 = arith.constant 0 : i32
    return %get3A_3, %c0_i32, %c0_i32_4 : i32, i32, i32
  }
  func.func @transform_3(%arg0: i32, %arg1: memref<96xi32, #tpu.memory_space<smem>>, %arg2: memref<1xi32, #tpu.memory_space<smem>>) -> (i32, i32) {
    %c0_i32 = arith.constant 0 : i32
    %c0_i32_0 = arith.constant 0 : i32
    %c0_i32_1 = arith.constant 0 : i32
    return %c0_i32, %c0_i32_0 : i32, i32
  }
  func.func @transform_4(%arg0: i32, %arg1: memref<96xi32, #tpu.memory_space<smem>>, %arg2: memref<1xi32, #tpu.memory_space<smem>>) -> (i32, i32, i32) {
    %get3A = arith.constant 0 : index
    %get3A_0 = memref.load %arg2[%get3A] : memref<1xi32, #tpu.memory_space<smem>>
    %sub3A = arith.constant 1 : i32
    %sub3A_1 = arith.subi %get3A_0, %sub3A : i32
    %min3A = arith.minsi %arg0, %sub3A_1 : i32
    %get3A_2 = arith.index_cast %min3A : i32 to index
    %get3A_3 = memref.load %arg1[%get3A_2] : memref<96xi32, #tpu.memory_space<smem>>
    %c0_i32 = arith.constant 0 : i32
    %c0_i32_4 = arith.constant 0 : i32
    %c0_i32_5 = arith.constant 0 : i32
    return %get3A_3, %c0_i32, %c0_i32_4 : i32, i32, i32
  }
  func.func @transform_5(%arg0: i32, %arg1: memref<96xi32, #tpu.memory_space<smem>>, %arg2: memref<1xi32, #tpu.memory_space<smem>>) -> (i32, i32) {
    %c0_i32 = arith.constant 0 : i32
    %c0_i32_0 = arith.constant 0 : i32
    %c0_i32_1 = arith.constant 0 : i32
    return %c0_i32, %c0_i32_0 : i32, i32
  }
  func.func @transform_6(%arg0: i32, %arg1: memref<96xi32, #tpu.memory_space<smem>>, %arg2: memref<1xi32, #tpu.memory_space<smem>>) -> (i32, i32) {
    %get3A = arith.constant 0 : index
    %get3A_0 = memref.load %arg2[%get3A] : memref<1xi32, #tpu.memory_space<smem>>
    %sub3A = arith.constant 1 : i32
    %sub3A_1 = arith.subi %get3A_0, %sub3A : i32
    %min3A = arith.minsi %arg0, %sub3A_1 : i32
    %c0_i32 = arith.constant 0 : i32
    %c0_i32_2 = arith.constant 0 : i32
    return %min3A, %c0_i32 : i32, i32
  }
}

</mosaic_0001>

<sc_bundles>
// kernel: kernel.6.cloned.1.call-start
scs
__scs_entry_jumppad:
0x0: {  	(pc) =	sbr.rel $0x88, $3  }
0x1: {  	(tag) =	ssettag $0x0;
	lr =	simm.s32 $0x1  }
0x2: {  	[smem:$0x3F9A] =	sst lr;
	_ =	strace $0xD0000000  }
0x3: {  	_ = 	snop  }
0x4: {  	_ = 	snop  }
0x5: {  	_ = 	snop  }
0x6: {  	_ = 	snop  }
0x7: {  	_ = 	snop  }
__scs_overlays_trampoline_lowered:
0x8: {  	[smem:$0x3FA9] =	sst s0  }
0x9: {  	[smem:$0x3FAA] =	sst s1  }
0xa: {  	[smem:$0x3FAB] =	sst s2  }
0xb: {  	[smem:$0x3FAC] =	sst s3  }
0xc: {  	[smem:$0x3FAD] =	sst s4  }
0xd: {  	[smem:$0x3FAE] =	sst s5  }
0xe: {  	[smem:$0x3FAF] =	sst s6  }
0xf: {  	[smem:$0x3FB0] =	sst s7  }
0x10: {  	[smem:$0x3FB1] =	sst s8  }
0x11: {  	[smem:$0x3FB2] =	sst s9;
	s0 =	simm.s32 @!p0 $0x0  }
0x12: {  	s1 =	sld [smem:$0x3F98];
	s0 =	simm.s32 @p0 $0x1  }
0x13: {  	[smem:$0x3FB3] =	sst s0;
	s0 =	simm.s32 @!p1 $0x0  }
0x14: {  	s2 =	sld [smem:$0x3F97];
	s0 =	simm.s32 @p1 $0x1  }
0x15: {  	[smem:$0x3FB4] =	sst s0;
	s0 =	simm.s32 @!p2 $0x0  }
0x16: {  	s3 =	sld [smem:$0x3FDB];
	s0 =	simm.s32 @p2 $0x1  }
0x17: {  	s4 =	simm.s32 $0x1BF5;
	[smem:$0x3FB6] =	sst s0  }
0x18: {  	s0 =	sld [smem:$0x3F99];
	_ =	swait.ge [sflag:s4], $0x0  }
0x19: {  	s7 =	sld [smem:$0x3F9A]  }
0x1a: {  	s8 =	sadd.s32 $0xFFFFE003, lr  }
0x1b: {  	s9 =	sadd.s32 $0xFFFFFEF7, lr;
	s5 =	simm.s32 $0xFFFFFFFF;
	p2 =	slt.u32 s8, $0xFFFFF086  }
0x1c: {  	p1 =	slt.u32 s9, $0xF7A;
	s5 =	simm.s32 @!p2 $0x0  }
0x1d: {  	s5 =	simm.s32 @p1 $0x1;
	p0 =	seq.s32 s7, s2  }
0x1e: {  	s7 =	smul.u32 @!p0 $0xF7A, s2;
	p2 =	seq.s32 @!p0 s5, $0x0  }
0x1f: {  	s9 =	smul.u32 $0xF7A, s1;
	s8 =	simm.s32 @!p0 $0x1BF5;
	p2 =	por !p2, p0  }
0x20: {  	[sflag:s8] =	ssyncset.s32 @!p0 $0xFFFFF086;
	s6 =	sadd.s32 @!p0 s3, s7;
	s7 =	simm.s32 @!p0 $0x108  }
0x21: {  	s3 =	sadd.s32 s3, s9;
	s6 =	sadd.s32 @!p0 $0x88, s6;
	s7 =	simm.s32 @p2 $0x1082  }
0x22: {  	[simem:s7], [sflag:s8] =	dma.local @!p0 [hbm:s6], $0xF7A  }
0x23: {  	s9 =	sor.u32 $0xD0000000, s2;
	s6 =	simm.s32 $0x108;
	_ =	swait.ge @!p0 [sflag:s8], $0x0  }
0x24: {  	s3 =	sadd.s32 $0x88, s3;
	s6 =	simm.s32 @!p1 $0x1082;
	[sflag:s4] =	ssyncset.s32 $0xFFFFF086  }
0x25: {  	[simem:s6], [sflag:s4] =	dma.local [hbm:s3], $0xF7A  }
0x26: {  	[smem:$0x3F9A] =	sst s1;
	(tag) =	ssettag s2;
	_ =	strace s9  }
0x27: {  	s1 =	sld [smem:$0x3FAA]  }
0x28: {  	s2 =	sld [smem:$0x3FAB]  }
0x29: {  	s4 =	sld [smem:$0x3FAD]  }
0x2a: {  	p0 =	seq.s32 s5, $0x0;
	s5 =	sld [smem:$0x3FAE]  }
0x2b: {  	s6 =	sld [smem:$0x3FAF]  }
0x2c: {  	s7 =	sld [smem:$0x3FB0]  }
0x2d: {  	s3 =	simm.s32 $0x108;
	s8 =	sld [smem:$0x3FB1]  }
0x2e: {  	s3 =	simm.s32 @!p0 $0x1082;
	s9 =	sld [smem:$0x3FB2]  }
0x2f: {  	lr =	sadd.s32 s0, s3;
	s0 =	sld [smem:$0x3FA9]  }
0x30: {  	s3 =	sld [smem:$0x3FAC]  }
0x31: {  	[smem:$0x3FB5] =	sst s10  }
0x32: {  	s10 =	sld [smem:$0x3FB3];
	_ =	sdelay $0x3  }
0x33: {  	p0 =	seq.s32 s10, $0x1;
	s10 =	sld [smem:$0x3FB5];
	_ =	sdelay $0x3  }
0x34: {  	[smem:$0x3FB5] =	sst s10  }
0x35: {  	s10 =	sld [smem:$0x3FB4];
	_ =	sdelay $0x3  }
0x36: {  	p1 =	seq.s32 s10, $0x1;
	s10 =	sld [smem:$0x3FB5];
	_ =	sdelay $0x3  }
0x37: {  	[smem:$0x3FB5] =	sst s10  }
0x38: {  	s10 =	sld [smem:$0x3FB6]  }
0x39: {  	_ = 	snop;
	(pc) =	sbr.ind lr, $3  }
0x3a: {  	_ = 	snop  }
0x3b: {  	_ = 	snop  }
0x3c: {  	p2 =	seq.s32 s10, $0x1;
	s10 =	sld [smem:$0x3FB5]  }
0x3d: {  	_ =	shalt  }
0x3e: {  	_ =	shalt  }
0x3f: {  	_ =	shalt  }
0x40: {  	_ =	shalt  }
0x41: {  	_ =	shalt  }
0x42: {  	_ =	shalt  }
0x43: {  	_ =	shalt  }
0x44: {  	_ =	shalt  }
0x45: {  	_ =	shalt  }
0x46: {  	_ =	shalt  }
0x47: {  	_ =	shalt  }
0x48: {  	_ =	shalt  }
0x49: {  	_ =	shalt  }
0x4a: {  	_ =	shalt  }
0x4b: {  	_ =	shalt  }
0x4c: {  	_ =	shalt  }
0x4d: {  	_ =	shalt  }
0x4e: {  	_ =	shalt  }
0x4f: {  	_ =	shalt  }
0x50: {  	_ =	shalt  }
0x51: {  	_ =	shalt  }
0x52: {  	_ =	shalt  }
0x53: {  	_ =	shalt  }
0x54: {  	_ =	shalt  }
0x55: {  	_ =	shalt  }
0x56: {  	_ =	shalt  }
0x57: {  	_ =	shalt  }
0x58: {  	_ =	shalt  }
0x59: {  	_ =	shalt  }
0x5a: {  	_ =	shalt  }
0x5b: {  	_ =	shalt  }
0x5c: {  	_ =	shalt  }
0x5d: {  	_ =	shalt  }
0x5e: {  	_ =	shalt  }
0x5f: {  	_ =	shalt  }
0x60: {  	_ =	shalt  }
0x61: {  	_ =	shalt  }
0x62: {  	_ =	shalt  }
0x63: {  	_ =	shalt  }
0x64: {  	_ =	shalt  }
0x65: {  	_ =	shalt  }
0x66: {  	_ =	shalt  }
0x67: {  	_ =	shalt  }
0x68: {  	_ =	shalt  }
0x69: {  	_ =	shalt  }
0x6a: {  	_ =	shalt  }
0x6b: {  	_ =	shalt  }
0x6c: {  	_ =	shalt  }
0x6d: {  	_ =	shalt  }
0x6e: {  	_ =	shalt  }
0x6f: {  	_ =	shalt  }
0x70: {  	_ =	shalt  }
0x71: {  	_ =	shalt  }
0x72: {  	_ =	shalt  }
0x73: {  	_ =	shalt  }
0x74: {  	_ =	shalt  }
0x75: {  	_ =	shalt  }
0x76: {  	_ =	shalt  }
0x77: {  	_ =	shalt  }
0x78: {  	_ =	shalt  }
0x79: {  	_ =	shalt  }
0x7a: {  	_ =	shalt  }
0x7b: {  	_ =	shalt  }
0x7c: {  	_ =	shalt  }
0x7d: {  	_ =	shalt  }
0x7e: {  	_ =	shalt  }
0x7f: {  	_ =	shalt  }
0x80: {  	_ =	shalt  }
0x81: {  	_ =	shalt  }
0x82: {  	_ =	shalt  }
0x83: {  	_ =	shalt  }
0x84: {  	_ =	shalt  }
0x85: {  	_ =	shalt  }
0x86: {  	_ =	shalt  }
0x87: {  	_ =	shalt  }
.Lfunc_end0:
.L_simem_size_0:
called_computation_lowered:
.L_overlay_start_0:
0x88: {  	s2 =	sld [smem:$0x3FD9]  }
0x89: {  	s3 =	sld [smem:$0x3FFE];
	_ =	sdelay $0x1  }
0x8a: {  	s1 =	srdreg.scid  }
0x8b: {  	s0 =	sand.u32 $0x1, s1  }
0x8c: {  	s17 =	sshll.u32 s0, $0xA;
	s2 =	sadd.s32 s3, s2  }
0x8d: {  	s2 =	sadd.s32 s2, s17  }
0x8e: {  	[smem:$0x3FC1] =	sst s2  }
0x8f: {  	_ = 	snop  }
0x90: {  	s2 =	sld [smem:$0x3FC9]  }
0x91: {  	s18 =	sld [smem:$0x3FD0];
	(tm) =	ssettm $0x1  }
0x92: {  	s4 =	sld [smem:$0x3FFB];
	_ =	sdelay $0x3  }
0x93: {  	_ =	strace s4  }
0x94: {  	s4 =	sld [smem:$0x3FFC];
	_ =	sdelay $0x3  }
0x95: {  	_ =	strace s4  }
0x96: {  	s4 =	sld [smem:$0x3FFD];
	_ =	sdelay $0x3  }
0x97: {  	_ =	strace s4  }
0x98: {  	_ =	strace $0x8FFFFFFF  }
0x99: {  	s19 =	sld [smem:$0x3FDB];
	_ =	sdelay $0x1  }
0x9a: {  	s5 =	simm.s32 $_scs_section_size  }
0x9b: {  	s6 =	simm.s32 $_size__tile_overlayer_lowered;
	s7 =	simm.s32 $_tile_overlayer_lowered  }
0x9c: {  	s22 =	simm.s32 $0x1BFF;
	s21 =	sshll.u32 s7, $0x1;
	s4 =	sadd.s32 s5, s19  }
0x9d: {  	s8 =	simm.s32 $0x0;
	s20 =	sshll.u32 s6, $0x1;
	s6 =	sadd.s32 s21, s4  }
0x9e: {  	[timem:s8], [sflag:s22] =	dma.local [hbm:s6], s20  }
0x9f: {  	_ =	swait.ge [sflag:s22], s20  }
0xa0: {  	s5 =	ssub.s32 $0x0, s20;
	[sflag:s22] =	ssyncset.done $0x0  }
0xa1: {  	[sflag:s22] =	ssyncadd.s32 s5;
	_ =	sdelay $0x1  }
0xa2: {  	s23 =	simm.s32 $0x1B8B  }
0xa3: {  	_ =	swait.ge [sflag:s23], $0x1  }
0xa4: {  	[sflag:s23] =	ssyncset.done $0x0  }
0xa5: {  	s25 =	simm.s32 $0x1B8E;
	s24 =	sld [smem:$0x3FFE];
	[sflag:s23] =	ssyncadd.s32 $0xFFFFFFFF  }
0xa6: {  	s26 =	simm.s32 $execute0_lowered;
	[smem:$0x3FD2] =	sst s25  }
0xa7: {  	s6 =	sshll.u32 s26, $0x1;
	_ =	strace $0x80000046;
	[dreg:$0x1] =	wrdreg $0xFFFFFFFF  }
0xa8: {  	s28 =	simm.s32 $_size_execute0_lowered;
	s4 =	sadd.s32 s4, s6;
	[dreg:$0x0] =	wrdreg $0x0  }
0xa9: {  	s6 =	sshll.u32 s28, $0x1;
	[dreg:$0x2] =	wrdreg s4  }
0xaa: {  	[dreg:$0x3] =	wrdreg s6  }
0xab: {  	[dreg:$0x4] =	wrdreg $0xC0  }
0xac: {  	_ =	task [dreg:s8], $0x5FFFF  }
0xad: {  	[dreg:$0x1] =	wrdreg $0xFFFFFFFF  }
0xae: {  	[dreg:$0x0] =	wrdreg $0x60  }
0xaf: {  	[dreg:$0x2] =	wrdreg s2  }
0xb0: {  	[dreg:$0x3] =	wrdreg s24  }
0xb1: {  	[dreg:$0x4] =	wrdreg s18  }
0xb2: {  	[dreg:$0x5] =	wrdreg $0x9  }
0xb3: {  	_ =	task.clear_ibuf [dreg:s8], $0x6FFFF;
	_ =	strace $0x90000046  }
0xb4: {  	s29 =	simm.s32 $0x9;
	_ =	strace $0x80000048  }
0xb5: {  	_ =	swait.ge [sflag:s29], $0x1  }
0xb6: {  	[sflag:s29] =	ssyncadd.s32 $0xFFFFFFFF  }
0xb7: {  	_ =	strace $0x90000048  }
0xb8: {  	_ =	sfence  }
0xb9: {  	s30 =	sld [smem:$0x0];
	_ =	sdelay $0x2  }
0xba: {  	s31 =	sshll.u32 s1, $0xD;
	s1 =	sshrl.u32 s1, $0x2  }
0xbb: {  	s3 =	sand.u32 $0x4000, s31;
	s1 =	sadd.s32 s1, s30  }
0xbc: {  	s0 =	sor.u32 s3, s0;
	s1 =	sshll.u32 s1, $0x11  }
0xbd: {  	s0 =	sor.u32 s1, s0  }
0xbe: {  	s0 =	sadd.s32 $0x8F2B, s0  }
0xbf: {  	[sflag:s0] =	ssyncadd.remote.s32 $0x1  }
0xc0: {  	_ =	sfence.sel $0xFFFF  }
0xc1: {  	[dreg:$0x0] =	wrdreg $0xFFFFFFFF;
	(pc) =	sbr.abs _section_cstart, $3  }
0xc2: {  	[dreg:$0x1] =	wrdreg $0xFFFFFFFF  }
0xc3: {  	_ =	task.clear_ibuf [dreg:s8], $0x2FFFF;
	_ =	strace $0x9FFFFFFF  }
0xc4: {  	(tm) =	ssettm $0x7FFFFFFF  }
0xc5: {  	_ =	shalt  }
tec
execute0_lowered:
.L_overlay_start_1:
0x0: {  	(tag) =	ssettag $0x1  }
0x1: {  	s0 =	rddreg [dreg:$0x0]  }
0x2: {  	s1 =	rddreg [dreg:$0x1]  }
0x3: {  	s3 =	simm.s32 $0x0;
	s2 =	srdreg.scid;
	s4 =	stileid.u32  }
0x4: {  	s13 =	simm.s32 $0x3;
	s14 =	simm.s32 $0x80;
	s15 =	simm.s32 $0x100  }
0x5: {  	s16 =	simm.s32 $0x18200;
	s17 =	simm.s32 $0x200;
	s24 =	simm.s32 $0x13A00  }
0x6: {  	s25 =	simm.s32 $0x14200;
	s28 =	simm.s32 $0x15200;
	s29 =	simm.s32 $0x15A00  }
0x7: {  	s30 =	simm.s32 $0x16200;
	s31 =	simm.s32 $0x16A00;
	s18 =	simm.s32 $0x18280  }
0x8: {  	s19 =	simm.s32 $0x1;
	s20 =	simm.s32 $0x2;
	s21 =	simm.s32 $0x0  }
0x9: {  	[smem:$0x7FF] =	sst s3;
	s2 =	sand.u32 $0x1, s2;
	s5 =	sshll.u32 s4, $0x5  }
0xa: {  	s4 =	sadd.s32 $0x2000, s1;
	s10 =	sadd.s32 $0x2300, s1;
	s6 =	sshll.u32 s2, $0x4  }
0xb: {  	s11 =	sadd.s32 $0x2400, s1;
	s2 =	ssub.s32 $0x2, s2;
	s5 =	sor.u32 s6, s5  }
0xc: {  	_ =	strace $0x80000047;
	s26 =	sshrl.u32 s2, $0x1;
	s8 =	sadd.s32 s5, s1  }
0xd: {  	s9 =	smul.u32 $0x300, s5;
	s5 =	sadd.s32 $0x2200, s1;
	s2 =	ssub.s32 s2, s26  }
0xe: {  	v2 =	vlaneseq.u32;
	s26 =	simm.s32 $0x14A00;
	s1 =	simm.s32 $0x180;
	s6 =	sadd.s32 $0x1C00, s8  }
0xf: {  	vm0 =	vmmov $0xffff;
	v1 =	vshrl.u32 v2, $0x3;
	s7 =	sadd.s32 $0x1800, s8;
	s8 =	sadd.s32 $0x1A00, s8;
	s12 =	smax.u32 s2, $0x1  }
0x10: {  	v0 =	vand.u32 $0x7, v2;
	v2 =	vor.u32 $0x8, v2;
	v1 =	vmul.u32 $0x8, v1;
	s2 =	simm.s32 $0x17A00;
	s9 =	sadd.s32 s0, s9;
	s0 =	simm.s32 $0x17200  }
.LBB2_1:
0x11: {  	[tilespmem:s3], [sflag:$0x3] =	stream.linear.gather [hbm4b:s6+s3], $0x80, $0x38;
	[tilespmem:$0x1C280] =	vst v63  }
0x12: {  	_ =	swait.ge [sflag:s13], $0x80  }
0x13: {  	[sflag:s13] =	ssyncset.done $0x0  }
0x14: {  	[sflag:s13] =	ssyncadd.s32 $0xFFFFFF80  }
0x15: {  	[tilespmem:s14], [sflag:$0x3] =	stream.linear.gather [hbm4b:s7+s3], $0x80, $0x38;
	[tilespmem:$0x1C280] =	vst v63  }
0x16: {  	_ =	swait.ge [sflag:s13], $0x80  }
0x17: {  	[sflag:s13] =	ssyncset.done $0x0  }
0x18: {  	[sflag:s13] =	ssyncadd.s32 $0xFFFFFF80  }
0x19: {  	[tilespmem:s15], [sflag:$0x3] =	stream.linear.gather [hbm4b:s4+s3], $0x40, $0x38;
	[tilespmem:$0x1C280] =	vst v63  }
0x1a: {  	_ =	swait.ge [sflag:s13], $0x40  }
0x1b: {  	[sflag:s13] =	ssyncset.done $0x0  }
0x1c: {  	[sflag:s13] =	ssyncadd.s32 $0xFFFFFFC0  }
0x1d: {  	[tilespmem:s16], [sflag:$0x3] =	stream.linear.gather [hbm4b:s8+s3], $0x80, $0x38;
	[tilespmem:$0x1C280] =	vst v63  }
0x1e: {  	_ =	swait.ge [sflag:s13], $0x80  }
0x1f: {  	[sflag:s13] =	ssyncset.done $0x0  }
0x20: {  	[sflag:s13] =	ssyncadd.s32 $0xFFFFFF80  }
0x21: {  	[tilespmem:s17], [sflag:$0x3] =	stream.linear.gather [hbm4b:s9+s3], $0x18000, $0x38;
	[tilespmem:$0x1C280] =	vst v63  }
0x22: {  	_ =	swait.ge [sflag:s13], $0x18000  }
0x23: {  	[sflag:s13] =	ssyncset.done $0x0  }
0x24: {  	[sflag:s13] =	ssyncadd.s32 $0xFFFE8000  }
0x25: {  	v3 =	vld [tilespmem:$0x0];
	_ =	sdelay $0x5  }
0x26: {  	v4 =	vld [tilespmem:$0x80]  }
0x27: {  	v5 =	vld [tilespmem:$0x10]  }
0x28: {  	v3 =	vld.idx.msk [tilespmem:v3+s15+$0x0], $0xffff;
	_ =	sdelay $0x4  }
0x29: {  	v3 =	vadd.s32 v4, v3;
	v4 =	vld [tilespmem:$0x90]  }
0x2a: {  	[tilespmem:$0x180] =	vst v3;
	v3 =	vld [tilespmem:$0x20]  }
0x2b: {  	v5 =	vld.idx.msk [tilespmem:v5+s15+$0x0], $0xffff;
	_ =	sdelay $0x4  }
0x2c: {  	v4 =	vadd.s32 v4, v5;
	v5 =	vld [tilespmem:$0xA0]  }
0x2d: {  	[tilespmem:$0x190] =	vst v4;
	v4 =	vld [tilespmem:$0x30]  }
0x2e: {  	v3 =	vld.idx.msk [tilespmem:v3+s15+$0x0], $0xffff;
	_ =	sdelay $0x4  }
0x2f: {  	v3 =	vadd.s32 v5, v3;
	v5 =	vld [tilespmem:$0xB0]  }
0x30: {  	[tilespmem:$0x1A0] =	vst v3;
	v3 =	vld [tilespmem:$0x40]  }
0x31: {  	v4 =	vld.idx.msk [tilespmem:v4+s15+$0x0], $0xffff;
	_ =	sdelay $0x4  }
0x32: {  	v4 =	vadd.s32 v5, v4;
	v5 =	vld [tilespmem:$0xC0]  }
0x33: {  	[tilespmem:$0x1B0] =	vst v4;
	v4 =	vld [tilespmem:$0x50]  }
0x34: {  	v3 =	vld.idx.msk [tilespmem:v3+s15+$0x0], $0xffff;
	_ =	sdelay $0x4  }
0x35: {  	v3 =	vadd.s32 v5, v3;
	v5 =	vld [tilespmem:$0xD0]  }
0x36: {  	[tilespmem:$0x1C0] =	vst v3;
	v3 =	vld [tilespmem:$0x60]  }
0x37: {  	v4 =	vld.idx.msk [tilespmem:v4+s15+$0x0], $0xffff;
	_ =	sdelay $0x4  }
0x38: {  	v4 =	vadd.s32 v5, v4;
	v5 =	vld [tilespmem:$0xE0]  }
0x39: {  	[tilespmem:$0x1D0] =	vst v4;
	v4 =	vld [tilespmem:$0x70]  }
0x3a: {  	v3 =	vld.idx.msk [tilespmem:v3+s15+$0x0], $0xffff;
	_ =	sdelay $0x4  }
0x3b: {  	v3 =	vadd.s32 v5, v3  }
0x3c: {  	[tilespmem:$0x1E0] =	vst v3;
	v3 =	vld [tilespmem:$0xF0]  }
0x3d: {  	v4 =	vld.idx.msk [tilespmem:v4+s15+$0x0], $0xffff;
	_ =	sdelay $0x1  }
0x3e: {  	v5 =	vmov s3;
	_ =	sdelay $0x2  }
0x3f: {  	v3 =	vadd.s32 v3, v4  }
0x40: {  	[tilespmem:$0x1F0] =	vst v3  }
0x41: {  	v3 =	vld.idx.msk [tilespmem:v5+s16+$0x0], $0xffff;
	_ =	sdelay $0x3  }
0x42: {  	s22 =	simm.s32 $0x182C0  }
0x43: {  	[tilespmem:s22+$0xFFFFFFC0] =	vst v3  }
0x44: {  	[tilespmem:s22+$0xFFFFFFD0] =	vst v3  }
0x45: {  	s23 =	simm.s32 $0x1;
	[tilespmem:s22+$0xFFFFFFE0] =	vst v3  }
0x46: {  	v4 =	vmov s23;
	s23 =	simm.s32 $0x2;
	[tilespmem:s22+$0xFFFFFFF0] =	vst v3  }
.LBB2_2:
0x47: {  	p0 =	sne.s32 s23, $0x7F;
	[tilespmem:s22+$0x0] =	vst v3  }
0x48: {  	[tilespmem:s22+$0x10] =	vst v3  }
0x49: {  	[tilespmem:s22+$0x20] =	vst v3  }
0x4a: {  	[tilespmem:s22+$0x30] =	vst v3  }
0x4b: {  	v3 =	vld.idx.msk [tilespmem:v4+s16+$0x0], $0xffff;
	_ =	sdelay $0x4  }
.Ltmp0:
0x4c: {  	s22 =	sadd.s32 $0x80, s22;
	(pc) =	sbr.rel @p0 .LBB2_2-.Ltmp0, $4  }
0x4d: {  	[tilespmem:s22+$0xFFFFFFC0] =	vst v3  }
0x4e: {  	[tilespmem:s22+$0xFFFFFFD0] =	vst v3  }
0x4f: {  	[tilespmem:s22+$0xFFFFFFE0] =	vst v3  }
0x50: {  	v4 =	vmov s23;
	s23 =	sadd.s32 $0x1, s23;
	[tilespmem:s22+$0xFFFFFFF0] =	vst v3  }
0x51: {  	[tilespmem:s22+$0x0] =	vst v3  }
0x52: {  	[tilespmem:s22+$0x10] =	vst v3  }
0x53: {  	[tilespmem:s22+$0x20] =	vst v3  }
0x54: {  	[tilespmem:s22+$0x30] =	vst v3  }
0x55: {  	v3 =	vld.idx.msk [tilespmem:v4+s16+$0x0], $0xffff;
	_ =	sdelay $0x3  }
0x56: {  	s23 =	sadd.s32 $0x80, s22  }
0x57: {  	[tilespmem:s23+$0xFFFFFFC0] =	vst v3  }
0x58: {  	[tilespmem:s23+$0xFFFFFFD0] =	vst v3  }
0x59: {  	[tilespmem:s23+$0xFFFFFFE0] =	vst v3  }
0x5a: {  	[tilespmem:s23+$0xFFFFFFF0] =	vst v3  }
0x5b: {  	[tilespmem:s23+$0x0] =	vst v3  }
0x5c: {  	[tilespmem:s23+$0x10] =	vst v3  }
0x5d: {  	[tilespmem:s23+$0x20] =	vst v3  }
0x5e: {  	[tilespmem:s23+$0x30] =	vst v3  }
0x5f: {  	v3 =	vld [tilespmem:$0x180];
	_ =	sdelay $0x4  }
0x60: {  	v56 =	vshrl.u32 v3, $0x3  }
0x61: {  	v4 =	vmul.u32 $0x30, v56  }
0x62: {  	v3 =	vand.u32 $0x7, v3  }
0x63: {  	v3 =	vor.u32 v3, v4  }
0x64: {  	v4 =	vperm.xlane v3, v0;
	_ =	sdelay $0x1  }
0x65: {  	v4 =	vadd.s32 v1, v4;
	_ =	sdelay $0x3  }
0x66: {  	v3 =	vperm.xlane v3, v2  }
0x67: {  	[hbm4b:s5+s3] =	stream.indirect_vreg.scatter [tilespmem:s17], [sflag:$0x1], $0x80, v4, vm0, $0xb8;
	[tilespmem:$0x1C280] =	vst v63  }
0x68: {  	s23 =	simm.s32 $0xA00;
	v3 =	vadd.s32 v1, v3  }
0x69: {  	[hbm4b:s10+s3] =	stream.indirect_vreg.scatter [tilespmem:s23], [sflag:$0x1], $0x80, v4, vm0, $0xb8;
	[tilespmem:$0x1C280] =	vst v63  }
0x6a: {  	s23 =	simm.s32 $0x1200  }
0x6b: {  	[hbm4b:s11+s3] =	stream.indirect_vreg.scatter [tilespmem:s23], [sflag:$0x1], $0x80, v4, vm0, $0xb8;
	[tilespmem:$0x1C280] =	vst v63  }
0x6c: {  	s23 =	simm.s32 $0x1A00  }
0x6d: {  	[hbm4b:s5+s3] =	stream.indirect_vreg.scatter [tilespmem:s23], [sflag:$0x1], $0x80, v3, vm0, $0xb8;
	[tilespmem:$0x1C280] =	vst v63  }
0x6e: {  	s23 =	simm.s32 $0x2200  }
0x6f: {  	[hbm4b:s10+s3] =	stream.indirect_vreg.scatter [tilespmem:s23], [sflag:$0x1], $0x80, v3, vm0, $0xb8;
	[tilespmem:$0x1C280] =	vst v63  }
0x70: {  	s23 =	simm.s32 $0x2A00  }
0x71: {  	[hbm4b:s11+s3] =	stream.indirect_vreg.scatter [tilespmem:s23], [sflag:$0x1], $0x80, v3, vm0, $0xb8;
	[tilespmem:$0x1C280] =	vst v63  }
0x72: {  	v3 =	vld [tilespmem:$0x190];
	_ =	sdelay $0x4  }
0x73: {  	v57 =	vshrl.u32 v3, $0x3  }
0x74: {  	v4 =	vmul.u32 $0x30, v57  }
0x75: {  	v3 =	vand.u32 $0x7, v3  }
0x76: {  	v3 =	vor.u32 v3, v4  }
0x77: {  	v4 =	vperm.xlane v3, v0;
	_ =	sdelay $0x1  }
0x78: {  	v4 =	vadd.s32 v1, v4;
	_ =	sdelay $0x3  }
0x79: {  	s23 =	simm.s32 $0x3200;
	v3 =	vperm.xlane v3, v2  }
0x7a: {  	[hbm4b:s5+s3] =	stream.indirect_vreg.scatter [tilespmem:s23], [sflag:$0x1], $0x80, v4, vm0, $0xb8;
	[tilespmem:$0x1C280] =	vst v63  }
0x7b: {  	v3 =	vadd.s32 v1, v3;
	s23 =	simm.s32 $0x3A00  }
0x7c: {  	[hbm4b:s10+s3] =	stream.indirect_vreg.scatter [tilespmem:s23], [sflag:$0x1], $0x80, v4, vm0, $0xb8;
	[tilespmem:$0x1C280] =	vst v63  }
0x7d: {  	s23 =	simm.s32 $0x4200  }
0x7e: {  	[hbm4b:s11+s3] =	stream.indirect_vreg.scatter [tilespmem:s23], [sflag:$0x1], $0x80, v4, vm0, $0xb8;
	[tilespmem:$0x1C280] =	vst v63  }
0x7f: {  	s23 =	simm.s32 $0x4A00  }
0x80: {  	[hbm4b:s5+s3] =	stream.indirect_vreg.scatter [tilespmem:s23], [sflag:$0x1], $0x80, v3, vm0, $0xb8;
	[tilespmem:$0x1C280] =	vst v63  }
0x81: {  	s23 =	simm.s32 $0x5200  }
0x82: {  	[hbm4b:s10+s3] =	stream.indirect_vreg.scatter [tilespmem:s23], [sflag:$0x1], $0x80, v3, vm0, $0xb8;
	[tilespmem:$0x1C280] =	vst v63  }
0x83: {  	s23 =	simm.s32 $0x5A00  }
0x84: {  	[hbm4b:s11+s3] =	stream.indirect_vreg.scatter [tilespmem:s23], [sflag:$0x1], $0x80, v3, vm0, $0xb8;
	[tilespmem:$0x1C280] =	vst v63  }
0x85: {  	v3 =	vld [tilespmem:$0x1A0];
	_ =	sdelay $0x4  }
0x86: {  	v58 =	vshrl.u32 v3, $0x3  }
0x87: {  	v4 =	vmul.u32 $0x30, v58  }
0x88: {  	v3 =	vand.u32 $0x7, v3  }
0x89: {  	v3 =	vor.u32 v3, v4  }
0x8a: {  	v4 =	vperm.xlane v3, v0;
	_ =	sdelay $0x1  }
0x8b: {  	v4 =	vadd.s32 v1, v4;
	_ =	sdelay $0x3  }
0x8c: {  	s23 =	simm.s32 $0x6200;
	v3 =	vperm.xlane v3, v2  }
0x8d: {  	[hbm4b:s5+s3] =	stream.indirect_vreg.scatter [tilespmem:s23], [sflag:$0x1], $0x80, v4, vm0, $0xb8;
	[tilespmem:$0x1C280] =	vst v63  }
0x8e: {  	v3 =	vadd.s32 v1, v3;
	s23 =	simm.s32 $0x6A00  }
0x8f: {  	[hbm4b:s10+s3] =	stream.indirect_vreg.scatter [tilespmem:s23], [sflag:$0x1], $0x80, v4, vm0, $0xb8;
	[tilespmem:$0x1C280] =	vst v63  }
0x90: {  	s23 =	simm.s32 $0x7200  }
0x91: {  	[hbm4b:s11+s3] =	stream.indirect_vreg.scatter [tilespmem:s23], [sflag:$0x1], $0x80, v4, vm0, $0xb8;
	[tilespmem:$0x1C280] =	vst v63  }
0x92: {  	s23 =	simm.s32 $0x7A00  }
0x93: {  	[hbm4b:s5+s3] =	stream.indirect_vreg.scatter [tilespmem:s23], [sflag:$0x1], $0x80, v3, vm0, $0xb8;
	[tilespmem:$0x1C280] =	vst v63  }
0x94: {  	s23 =	simm.s32 $0x8200  }
0x95: {  	[hbm4b:s10+s3] =	stream.indirect_vreg.scatter [tilespmem:s23], [sflag:$0x1], $0x80, v3, vm0, $0xb8;
	[tilespmem:$0x1C280] =	vst v63  }
0x96: {  	s23 =	simm.s32 $0x8A00  }
0x97: {  	[hbm4b:s11+s3] =	stream.indirect_vreg.scatter [tilespmem:s23], [sflag:$0x1], $0x80, v3, vm0, $0xb8;
	[tilespmem:$0x1C280] =	vst v63  }
0x98: {  	v3 =	vld [tilespmem:$0x1B0];
	_ =	sdelay $0x4  }
0x99: {  	v59 =	vshrl.u32 v3, $0x3  }
0x9a: {  	v4 =	vmul.u32 $0x30, v59  }
0x9b: {  	v3 =	vand.u32 $0x7, v3  }
0x9c: {  	v3 =	vor.u32 v3, v4  }
0x9d: {  	v4 =	vperm.xlane v3, v0;
	_ =	sdelay $0x1  }
0x9e: {  	v4 =	vadd.s32 v1, v4;
	_ =	sdelay $0x3  }
0x9f: {  	s23 =	simm.s32 $0x9200;
	v3 =	vperm.xlane v3, v2  }
0xa0: {  	[hbm4b:s5+s3] =	stream.indirect_vreg.scatter [tilespmem:s23], [sflag:$0x1], $0x80, v4, vm0, $0xb8;
	[tilespmem:$0x1C280] =	vst v63  }
0xa1: {  	v3 =	vadd.s32 v1, v3;
	s23 =	simm.s32 $0x9A00  }
0xa2: {  	[hbm4b:s10+s3] =	stream.indirect_vreg.scatter [tilespmem:s23], [sflag:$0x1], $0x80, v4, vm0, $0xb8;
	[tilespmem:$0x1C280] =	vst v63  }
0xa3: {  	s23 =	simm.s32 $0xA200  }
0xa4: {  	[hbm4b:s11+s3] =	stream.indirect_vreg.scatter [tilespmem:s23], [sflag:$0x1], $0x80, v4, vm0, $0xb8;
	[tilespmem:$0x1C280] =	vst v63  }
0xa5: {  	s23 =	simm.s32 $0xAA00  }
0xa6: {  	[hbm4b:s5+s3] =	stream.indirect_vreg.scatter [tilespmem:s23], [sflag:$0x1], $0x80, v3, vm0, $0xb8;
	[tilespmem:$0x1C280] =	vst v63  }
0xa7: {  	s23 =	simm.s32 $0xB200  }
0xa8: {  	[hbm4b:s10+s3] =	stream.indirect_vreg.scatter [tilespmem:s23], [sflag:$0x1], $0x80, v3, vm0, $0xb8;
	[tilespmem:$0x1C280] =	vst v63  }
0xa9: {  	s23 =	simm.s32 $0xBA00  }
0xaa: {  	[hbm4b:s11+s3] =	stream.indirect_vreg.scatter [tilespmem:s23], [sflag:$0x1], $0x80, v3, vm0, $0xb8;
	[tilespmem:$0x1C280] =	vst v63  }
0xab: {  	v3 =	vld [tilespmem:$0x1C0];
	_ =	sdelay $0x4  }
0xac: {  	v60 =	vshrl.u32 v3, $0x3  }
0xad: {  	v4 =	vmul.u32 $0x30, v60  }
0xae: {  	v3 =	vand.u32 $0x7, v3  }
0xaf: {  	v3 =	vor.u32 v3, v4  }
0xb0: {  	v4 =	vperm.xlane v3, v0;
	_ =	sdelay $0x1  }
0xb1: {  	v4 =	vadd.s32 v1, v4;
	_ =	sdelay $0x3  }
0xb2: {  	s23 =	simm.s32 $0xC200;
	v3 =	vperm.xlane v3, v2  }
0xb3: {  	[hbm4b:s5+s3] =	stream.indirect_vreg.scatter [tilespmem:s23], [sflag:$0x1], $0x80, v4, vm0, $0xb8;
	[tilespmem:$0x1C280] =	vst v63  }
0xb4: {  	v3 =	vadd.s32 v1, v3;
	s23 =	simm.s32 $0xCA00  }
0xb5: {  	[hbm4b:s10+s3] =	stream.indirect_vreg.scatter [tilespmem:s23], [sflag:$0x1], $0x80, v4, vm0, $0xb8;
	[tilespmem:$0x1C280] =	vst v63  }
0xb6: {  	s23 =	simm.s32 $0xD200  }
0xb7: {  	[hbm4b:s11+s3] =	stream.indirect_vreg.scatter [tilespmem:s23], [sflag:$0x1], $0x80, v4, vm0, $0xb8;
	[tilespmem:$0x1C280] =	vst v63  }
0xb8: {  	s23 =	simm.s32 $0xDA00  }
0xb9: {  	[hbm4b:s5+s3] =	stream.indirect_vreg.scatter [tilespmem:s23], [sflag:$0x1], $0x80, v3, vm0, $0xb8;
	[tilespmem:$0x1C280] =	vst v63  }
0xba: {  	s23 =	simm.s32 $0xE200  }
0xbb: {  	[hbm4b:s10+s3] =	stream.indirect_vreg.scatter [tilespmem:s23], [sflag:$0x1], $0x80, v3, vm0, $0xb8;
	[tilespmem:$0x1C280] =	vst v63  }
0xbc: {  	s23 =	simm.s32 $0xEA00  }
0xbd: {  	[hbm4b:s11+s3] =	stream.indirect_vreg.scatter [tilespmem:s23], [sflag:$0x1], $0x80, v3, vm0, $0xb8;
	[tilespmem:$0x1C280] =	vst v63  }
0xbe: {  	v3 =	vld [tilespmem:$0x1D0];
	_ =	sdelay $0x4  }
0xbf: {  	v61 =	vshrl.u32 v3, $0x3  }
0xc0: {  	v4 =	vmul.u32 $0x30, v61  }
0xc1: {  	v3 =	vand.u32 $0x7, v3  }
0xc2: {  	v3 =	vor.u32 v3, v4  }
0xc3: {  	v4 =	vperm.xlane v3, v0;
	_ =	sdelay $0x1  }
0xc4: {  	v4 =	vadd.s32 v1, v4;
	_ =	sdelay $0x3  }
0xc5: {  	s23 =	simm.s32 $0xF200;
	v3 =	vperm.xlane v3, v2  }
0xc6: {  	[hbm4b:s5+s3] =	stream.indirect_vreg.scatter [tilespmem:s23], [sflag:$0x1], $0x80, v4, vm0, $0xb8;
	[tilespmem:$0x1C280] =	vst v63  }
0xc7: {  	v3 =	vadd.s32 v1, v3;
	s23 =	simm.s32 $0xFA00  }
0xc8: {  	[hbm4b:s10+s3] =	stream.indirect_vreg.scatter [tilespmem:s23], [sflag:$0x1], $0x80, v4, vm0, $0xb8;
	[tilespmem:$0x1C280] =	vst v63  }
0xc9: {  	s23 =	simm.s32 $0x10200  }
0xca: {  	[hbm4b:s11+s3] =	stream.indirect_vreg.scatter [tilespmem:s23], [sflag:$0x1], $0x80, v4, vm0, $0xb8;
	[tilespmem:$0x1C280] =	vst v63  }
0xcb: {  	s23 =	simm.s32 $0x10A00  }
0xcc: {  	[hbm4b:s5+s3] =	stream.indirect_vreg.scatter [tilespmem:s23], [sflag:$0x1], $0x80, v3, vm0, $0xb8;
	[tilespmem:$0x1C280] =	vst v63  }
0xcd: {  	s23 =	simm.s32 $0x11200  }
0xce: {  	[hbm4b:s10+s3] =	stream.indirect_vreg.scatter [tilespmem:s23], [sflag:$0x1], $0x80, v3, vm0, $0xb8;
	[tilespmem:$0x1C280] =	vst v63  }
0xcf: {  	s23 =	simm.s32 $0x11A00  }
0xd0: {  	[hbm4b:s11+s3] =	stream.indirect_vreg.scatter [tilespmem:s23], [sflag:$0x1], $0x80, v3, vm0, $0xb8;
	[tilespmem:$0x1C280] =	vst v63  }
0xd1: {  	v3 =	vld [tilespmem:$0x1E0];
	_ =	sdelay $0x4  }
0xd2: {  	v62 =	vshrl.u32 v3, $0x3  }
0xd3: {  	v4 =	vmul.u32 $0x30, v62  }
0xd4: {  	v3 =	vand.u32 $0x7, v3  }
0xd5: {  	v3 =	vor.u32 v3, v4  }
0xd6: {  	v4 =	vperm.xlane v3, v0;
	_ =	sdelay $0x1  }
0xd7: {  	v4 =	vadd.s32 v1, v4;
	_ =	sdelay $0x3  }
0xd8: {  	s23 =	simm.s32 $0x12200;
	v3 =	vperm.xlane v3, v2  }
0xd9: {  	[hbm4b:s5+s3] =	stream.indirect_vreg.scatter [tilespmem:s23], [sflag:$0x1], $0x80, v4, vm0, $0xb8;
	[tilespmem:$0x1C280] =	vst v63  }
0xda: {  	v3 =	vadd.s32 v1, v3;
	s23 =	simm.s32 $0x12A00  }
0xdb: {  	[hbm4b:s10+s3] =	stream.indirect_vreg.scatter [tilespmem:s23], [sflag:$0x1], $0x80, v4, vm0, $0xb8;
	[tilespmem:$0x1C280] =	vst v63  }
0xdc: {  	s23 =	simm.s32 $0x13200  }
0xdd: {  	[hbm4b:s11+s3] =	stream.indirect_vreg.scatter [tilespmem:s23], [sflag:$0x1], $0x80, v4, vm0, $0xb8;
	[tilespmem:$0x1C280] =	vst v63  }
0xde: {  	_ = 	snop  }
0xdf: {  	[hbm4b:s5+s3] =	stream.indirect_vreg.scatter [tilespmem:s24], [sflag:$0x1], $0x80, v3, vm0, $0xb8;
	[tilespmem:$0x1C280] =	vst v63  }
0xe0: {  	_ = 	snop  }
0xe1: {  	[hbm4b:s10+s3] =	stream.indirect_vreg.scatter [tilespmem:s25], [sflag:$0x1], $0x80, v3, vm0, $0xb8;
	[tilespmem:$0x1C280] =	vst v63  }
0xe2: {  	_ = 	snop  }
0xe3: {  	[hbm4b:s11+s3] =	stream.indirect_vreg.scatter [tilespmem:s26], [sflag:$0x1], $0x80, v3, vm0, $0xb8;
	[tilespmem:$0x1C280] =	vst v63  }
0xe4: {  	v3 =	vld [tilespmem:$0x1F0];
	_ =	sdelay $0x4  }
0xe5: {  	v63 =	vshrl.u32 v3, $0x3  }
0xe6: {  	v4 =	vmul.u32 $0x30, v63  }
0xe7: {  	v3 =	vand.u32 $0x7, v3  }
0xe8: {  	v3 =	vor.u32 v3, v4  }
0xe9: {  	v4 =	vperm.xlane v3, v0;
	_ =	sdelay $0x1  }
0xea: {  	v4 =	vadd.s32 v1, v4;
	_ =	sdelay $0x3  }
0xeb: {  	v3 =	vperm.xlane v3, v2  }
0xec: {  	[hbm4b:s5+s3] =	stream.indirect_vreg.scatter [tilespmem:s28], [sflag:$0x1], $0x80, v4, vm0, $0xb8;
	[tilespmem:$0x1C280] =	vst v63  }
0xed: {  	v3 =	vadd.s32 v1, v3  }
0xee: {  	[hbm4b:s10+s3] =	stream.indirect_vreg.scatter [tilespmem:s29], [sflag:$0x1], $0x80, v4, vm0, $0xb8;
	[tilespmem:$0x1C280] =	vst v63  }
0xef: {  	_ = 	snop  }
0xf0: {  	[hbm4b:s11+s3] =	stream.indirect_vreg.scatter [tilespmem:s30], [sflag:$0x1], $0x80, v4, vm0, $0xb8;
	[tilespmem:$0x1C280] =	vst v63  }
0xf1: {  	_ = 	snop  }
0xf2: {  	[hbm4b:s5+s3] =	stream.indirect_vreg.scatter [tilespmem:s31], [sflag:$0x1], $0x80, v3, vm0, $0xb8;
	[tilespmem:$0x1C280] =	vst v63  }
0xf3: {  	_ = 	snop  }
0xf4: {  	[hbm4b:s10+s3] =	stream.indirect_vreg.scatter [tilespmem:s0], [sflag:$0x1], $0x80, v3, vm0, $0xb8;
	[tilespmem:$0x1C280] =	vst v63  }
0xf5: {  	_ = 	snop  }
0xf6: {  	[hbm4b:s11+s3] =	stream.indirect_vreg.scatter [tilespmem:s2], [sflag:$0x1], $0x80, v3, vm0, $0xb8;
	[tilespmem:$0x1C280] =	vst v63  }
0xf7: {  	s21 =	sadd.s32 $0x1, s21;
	s23 =	rddreg [dreg:$0x2]  }
0xf8: {  	[hbm4b:s23+s14] =	stream.indirect.scatter [tilespmem:s18], [sflag:$0x2], $0x80, s1, s14, $0xb8;
	[tilespmem:$0x1C280] =	vst v63  }
0xf9: {  	p0 =	sne.s32 s21, s12;
	_ =	swait.ge [sflag:s19], $0x18000  }
.Ltmp1:
0xfa: {  	[sflag:s19] =	ssyncset.done $0x0;
	(pc) =	sbr.rel @p0 .LBB2_1-.Ltmp1, $4  }
0xfb: {  	[sflag:s19] =	ssyncadd.s32 $0xFFFE8000  }
0xfc: {  	_ =	swait.ge [sflag:s20], $0x4000  }
0xfd: {  	[sflag:s20] =	ssyncset.done $0x0  }
0xfe: {  	[sflag:s20] =	ssyncadd.s32 $0xFFFFC000  }
0xff: {  	_ =	sfence.sel $0x180000  }
0x100: {  	[bflag:$0x0] =	sbarrier.arrive $0xFFFF  }
0x101: {  	_ =	strace $0x90000047  }
0x102: {  	s0 =	stileid.u32;
	[bflag:$0x2] =	sbarrier.arrive $0xFFFF  }
0x103: {  	p0 =	sne.s32 s0, $0x0;
	s0 =	rddreg [dreg:$0x3]  }
0x104: {  	s0 =	sadd.s32 @!p0 $0x100000, s0  }
0x105: {  	[sflag:s0] =	ssyncadd.tile.s32 @!p0 $0x1;
	_ =	shalt  }
.Lfunc_end2:
_tile_overlayer_lowered:
.L_overlay_start_2:
0x106: {  	(tag) =	ssettag $0x2  }
0x107: {  	s0 =	rddreg [dreg:$0x0];
	s2 =	stileid.u32  }
0x108: {  	s1 =	rddreg [dreg:$0x1];
	p0 =	sne.s32 s2, $0x0  }
0x109: {  	s3 =	rddreg [dreg:$0x2];
	[bflag:$0x3] =	sbarrier.arrive $0xFFFF;
	s2 =	simm.s32 @!p0 $0x1C03  }
0x10a: {  	[timem:s3], [sflag:s2] =	dma.local @!p0 [hbm:s0], s1  }
0x10b: {  	s0 =	simm.s32 @!p0 $0x3  }
0x10c: {  	_ =	swait.ge @!p0 [sflag:s0], s1  }
0x10d: {  	s1 =	ssub.s32 @!p0 $0x0, s1;
	[sflag:s0] =	ssyncset.done @!p0 $0x0  }
0x10e: {  	[sflag:s0] =	ssyncadd.s32 @!p0 s1  }
0x10f: {  	[bflag:$0x3] =	sbarrier.arrive $0xFFFF  }
0x110: {  	_ =	shalt  }

// kernel: kernel.9.cloned.1.call-start
scs
__scs_entry_jumppad:
0x0: {  	(pc) =	sbr.rel $0x88, $3  }
0x1: {  	(tag) =	ssettag $0x0;
	lr =	simm.s32 $0x1  }
0x2: {  	[smem:$0x3F9A] =	sst lr;
	_ =	strace $0xD0000000  }
0x3: {  	_ = 	snop  }
0x4: {  	_ = 	snop  }
0x5: {  	_ = 	snop  }
0x6: {  	_ = 	snop  }
0x7: {  	_ = 	snop  }
__scs_overlays_trampoline_lowered:
0x8: {  	[smem:$0x3FA9] =	sst s0  }
0x9: {  	[smem:$0x3FAA] =	sst s1  }
0xa: {  	[smem:$0x3FAB] =	sst s2  }
0xb: {  	[smem:$0x3FAC] =	sst s3  }
0xc: {  	[smem:$0x3FAD] =	sst s4  }
0xd: {  	[smem:$0x3FAE] =	sst s5  }
0xe: {  	[smem:$0x3FAF] =	sst s6  }
0xf: {  	[smem:$0x3FB0] =	sst s7  }
0x10: {  	[smem:$0x3FB1] =	sst s8  }
0x11: {  	[smem:$0x3FB2] =	sst s9;
	s0 =	simm.s32 @!p0 $0x0  }
0x12: {  	s1 =	sld [smem:$0x3F98];
	s0 =	simm.s32 @p0 $0x1  }
0x13: {  	[smem:$0x3FB3] =	sst s0;
	s0 =	simm.s32 @!p1 $0x0  }
0x14: {  	s2 =	sld [smem:$0x3F97];
	s0 =	simm.s32 @p1 $0x1  }
0x15: {  	[smem:$0x3FB4] =	sst s0;
	s0 =	simm.s32 @!p2 $0x0  }
0x16: {  	s3 =	sld [smem:$0x3FDB];
	s0 =	simm.s32 @p2 $0x1  }
0x17: {  	s4 =	simm.s32 $0x1BF5;
	[smem:$0x3FB6] =	sst s0  }
0x18: {  	s0 =	sld [smem:$0x3F99];
	_ =	swait.ge [sflag:s4], $0x0  }
0x19: {  	s7 =	sld [smem:$0x3F9A]  }
0x1a: {  	s8 =	sadd.s32 $0xFFFFE003, lr  }
0x1b: {  	s9 =	sadd.s32 $0xFFFFFEF7, lr;
	s5 =	simm.s32 $0xFFFFFFFF;
	p2 =	slt.u32 s8, $0xFFFFF086  }
0x1c: {  	p1 =	slt.u32 s9, $0xF7A;
	s5 =	simm.s32 @!p2 $0x0  }
0x1d: {  	s5 =	simm.s32 @p1 $0x1;
	p0 =	seq.s32 s7, s2  }
0x1e: {  	s7 =	smul.u32 @!p0 $0xF7A, s2;
	p2 =	seq.s32 @!p0 s5, $0x0  }
0x1f: {  	s9 =	smul.u32 $0xF7A, s1;
	s8 =	simm.s32 @!p0 $0x1BF5;
	p2 =	por !p2, p0  }
0x20: {  	[sflag:s8] =	ssyncset.s32 @!p0 $0xFFFFF086;
	s6 =	sadd.s32 @!p0 s3, s7;
	s7 =	simm.s32 @!p0 $0x108  }
0x21: {  	s3 =	sadd.s32 s3, s9;
	s6 =	sadd.s32 @!p0 $0x88, s6;
	s7 =	simm.s32 @p2 $0x1082  }
0x22: {  	[simem:s7], [sflag:s8] =	dma.local @!p0 [hbm:s6], $0xF7A  }
0x23: {  	s9 =	sor.u32 $0xD0000000, s2;
	s6 =	simm.s32 $0x108;
	_ =	swait.ge @!p0 [sflag:s8], $0x0  }
0x24: {  	s3 =	sadd.s32 $0x88, s3;
	s6 =	simm.s32 @!p1 $0x1082;
	[sflag:s4] =	ssyncset.s32 $0xFFFFF086  }
0x25: {  	[simem:s6], [sflag:s4] =	dma.local [hbm:s3], $0xF7A  }
0x26: {  	[smem:$0x3F9A] =	sst s1;
	(tag) =	ssettag s2;
	_ =	strace s9  }
0x27: {  	s1 =	sld [smem:$0x3FAA]  }
0x28: {  	s2 =	sld [smem:$0x3FAB]  }
0x29: {  	s4 =	sld [smem:$0x3FAD]  }
0x2a: {  	p0 =	seq.s32 s5, $0x0;
	s5 =	sld [smem:$0x3FAE]  }
0x2b: {  	s6 =	sld [smem:$0x3FAF]  }
0x2c: {  	s7 =	sld [smem:$0x3FB0]  }
0x2d: {  	s3 =	simm.s32 $0x108;
	s8 =	sld [smem:$0x3FB1]  }
0x2e: {  	s3 =	simm.s32 @!p0 $0x1082;
	s9 =	sld [smem:$0x3FB2]  }
0x2f: {  	lr =	sadd.s32 s0, s3;
	s0 =	sld [smem:$0x3FA9]  }
0x30: {  	s3 =	sld [smem:$0x3FAC]  }
0x31: {  	[smem:$0x3FB5] =	sst s10  }
0x32: {  	s10 =	sld [smem:$0x3FB3];
	_ =	sdelay $0x3  }
0x33: {  	p0 =	seq.s32 s10, $0x1;
	s10 =	sld [smem:$0x3FB5];
	_ =	sdelay $0x3  }
0x34: {  	[smem:$0x3FB5] =	sst s10  }
0x35: {  	s10 =	sld [smem:$0x3FB4];
	_ =	sdelay $0x3  }
0x36: {  	p1 =	seq.s32 s10, $0x1;
	s10 =	sld [smem:$0x3FB5];
	_ =	sdelay $0x3  }
0x37: {  	[smem:$0x3FB5] =	sst s10  }
0x38: {  	s10 =	sld [smem:$0x3FB6]  }
0x39: {  	_ = 	snop;
	(pc) =	sbr.ind lr, $3  }
0x3a: {  	_ = 	snop  }
0x3b: {  	_ = 	snop  }
0x3c: {  	p2 =	seq.s32 s10, $0x1;
	s10 =	sld [smem:$0x3FB5]  }
0x3d: {  	_ =	shalt  }
0x3e: {  	_ =	shalt  }
0x3f: {  	_ =	shalt  }
0x40: {  	_ =	shalt  }
0x41: {  	_ =	shalt  }
0x42: {  	_ =	shalt  }
0x43: {  	_ =	shalt  }
0x44: {  	_ =	shalt  }
0x45: {  	_ =	shalt  }
0x46: {  	_ =	shalt  }
0x47: {  	_ =	shalt  }
0x48: {  	_ =	shalt  }
0x49: {  	_ =	shalt  }
0x4a: {  	_ =	shalt  }
0x4b: {  	_ =	shalt  }
0x4c: {  	_ =	shalt  }
0x4d: {  	_ =	shalt  }
0x4e: {  	_ =	shalt  }
0x4f: {  	_ =	shalt  }
0x50: {  	_ =	shalt  }
0x51: {  	_ =	shalt  }
0x52: {  	_ =	shalt  }
0x53: {  	_ =	shalt  }
0x54: {  	_ =	shalt  }
0x55: {  	_ =	shalt  }
0x56: {  	_ =	shalt  }
0x57: {  	_ =	shalt  }
0x58: {  	_ =	shalt  }
0x59: {  	_ =	shalt  }
0x5a: {  	_ =	shalt  }
0x5b: {  	_ =	shalt  }
0x5c: {  	_ =	shalt  }
0x5d: {  	_ =	shalt  }
0x5e: {  	_ =	shalt  }
0x5f: {  	_ =	shalt  }
0x60: {  	_ =	shalt  }
0x61: {  	_ =	shalt  }
0x62: {  	_ =	shalt  }
0x63: {  	_ =	shalt  }
0x64: {  	_ =	shalt  }
0x65: {  	_ =	shalt  }
0x66: {  	_ =	shalt  }
0x67: {  	_ =	shalt  }
0x68: {  	_ =	shalt  }
0x69: {  	_ =	shalt  }
0x6a: {  	_ =	shalt  }
0x6b: {  	_ =	shalt  }
0x6c: {  	_ =	shalt  }
0x6d: {  	_ =	shalt  }
0x6e: {  	_ =	shalt  }
0x6f: {  	_ =	shalt  }
0x70: {  	_ =	shalt  }
0x71: {  	_ =	shalt  }
0x72: {  	_ =	shalt  }
0x73: {  	_ =	shalt  }
0x74: {  	_ =	shalt  }
0x75: {  	_ =	shalt  }
0x76: {  	_ =	shalt  }
0x77: {  	_ =	shalt  }
0x78: {  	_ =	shalt  }
0x79: {  	_ =	shalt  }
0x7a: {  	_ =	shalt  }
0x7b: {  	_ =	shalt  }
0x7c: {  	_ =	shalt  }
0x7d: {  	_ =	shalt  }
0x7e: {  	_ =	shalt  }
0x7f: {  	_ =	shalt  }
0x80: {  	_ =	shalt  }
0x81: {  	_ =	shalt  }
0x82: {  	_ =	shalt  }
0x83: {  	_ =	shalt  }
0x84: {  	_ =	shalt  }
0x85: {  	_ =	shalt  }
0x86: {  	_ =	shalt  }
0x87: {  	_ =	shalt  }
.Lfunc_end0:
.L_simem_size_0:
called_computation.1_lowered:
.L_overlay_start_0:
0x88: {  	s2 =	sld [smem:$0x3FD9]  }
0x89: {  	s3 =	sld [smem:$0x3FFE];
	_ =	sdelay $0x1  }
0x8a: {  	s1 =	srdreg.scid  }
0x8b: {  	s0 =	sand.u32 $0x1, s1  }
0x8c: {  	s17 =	sshll.u32 s0, $0xA;
	s2 =	sadd.s32 s3, s2  }
0x8d: {  	s2 =	sadd.s32 s2, s17  }
0x8e: {  	[smem:$0x3FC1] =	sst s2  }
0x8f: {  	_ = 	snop  }
0x90: {  	s2 =	sld [smem:$0x3FD0];
	(tm) =	ssettm $0x1  }
0x91: {  	s18 =	sld [smem:$0x3FFB];
	_ =	sdelay $0x3  }
0x92: {  	_ =	strace s18  }
0x93: {  	s3 =	sld [smem:$0x3FFC];
	_ =	sdelay $0x3  }
0x94: {  	_ =	strace s3  }
0x95: {  	s3 =	sld [smem:$0x3FFD];
	_ =	sdelay $0x3  }
0x96: {  	_ =	strace s3  }
0x97: {  	_ =	strace $0x8FFFFFFF  }
0x98: {  	s19 =	sld [smem:$0x3FDB];
	_ =	sdelay $0x1  }
0x99: {  	s4 =	simm.s32 $_scs_section_size  }
0x9a: {  	s5 =	simm.s32 $_size__tile_overlayer_lowered;
	s6 =	simm.s32 $_tile_overlayer_lowered  }
0x9b: {  	s22 =	simm.s32 $0x1BFF;
	s21 =	sshll.u32 s6, $0x1;
	s3 =	sadd.s32 s4, s19  }
0x9c: {  	s7 =	simm.s32 $0x0;
	s20 =	sshll.u32 s5, $0x1;
	s5 =	sadd.s32 s21, s3  }
0x9d: {  	[timem:s7], [sflag:s22] =	dma.local [hbm:s5], s20  }
0x9e: {  	_ =	swait.ge [sflag:s22], s20  }
0x9f: {  	s4 =	ssub.s32 $0x0, s20;
	[sflag:s22] =	ssyncset.done $0x0  }
0xa0: {  	[sflag:s22] =	ssyncadd.s32 s4;
	_ =	sdelay $0x1  }
0xa1: {  	s23 =	simm.s32 $0x1B8B  }
0xa2: {  	_ =	swait.ge [sflag:s23], $0x1  }
0xa3: {  	[sflag:s23] =	ssyncset.done $0x0  }
0xa4: {  	s25 =	simm.s32 $0x1B8E;
	s24 =	sld [smem:$0x3FFE];
	[sflag:s23] =	ssyncadd.s32 $0xFFFFFFFF  }
0xa5: {  	s26 =	simm.s32 $execute0_lowered;
	[smem:$0x3FD2] =	sst s25  }
0xa6: {  	s5 =	sshll.u32 s26, $0x1;
	_ =	strace $0x80000049;
	[dreg:$0x1] =	wrdreg $0xFFFFFFFF  }
0xa7: {  	s28 =	simm.s32 $_size_execute0_lowered;
	s3 =	sadd.s32 s3, s5;
	[dreg:$0x0] =	wrdreg $0x0  }
0xa8: {  	s5 =	sshll.u32 s28, $0x1;
	[dreg:$0x2] =	wrdreg s3  }
0xa9: {  	[dreg:$0x3] =	wrdreg s5  }
0xaa: {  	[dreg:$0x4] =	wrdreg $0xC0  }
0xab: {  	_ =	task [dreg:s7], $0x5FFFF  }
0xac: {  	[dreg:$0x1] =	wrdreg $0xFFFFFFFF  }
0xad: {  	[dreg:$0x0] =	wrdreg $0x60  }
0xae: {  	[dreg:$0x2] =	wrdreg s24  }
0xaf: {  	[dreg:$0x3] =	wrdreg s2  }
0xb0: {  	[dreg:$0x4] =	wrdreg $0x9  }
0xb1: {  	_ =	task.clear_ibuf [dreg:s7], $0x5FFFF;
	_ =	strace $0x90000049  }
0xb2: {  	s29 =	simm.s32 $0x9;
	_ =	strace $0x8000004B  }
0xb3: {  	_ =	swait.ge [sflag:s29], $0x1  }
0xb4: {  	[sflag:s29] =	ssyncadd.s32 $0xFFFFFFFF  }
0xb5: {  	_ =	strace $0x9000004B  }
0xb6: {  	_ =	sfence  }
0xb7: {  	s30 =	sld [smem:$0x0];
	_ =	sdelay $0x2  }
0xb8: {  	s31 =	sshll.u32 s1, $0xD;
	s1 =	sshrl.u32 s1, $0x2  }
0xb9: {  	s3 =	sand.u32 $0x4000, s31;
	s1 =	sadd.s32 s1, s30  }
0xba: {  	s0 =	sor.u32 s3, s0;
	s1 =	sshll.u32 s1, $0x11  }
0xbb: {  	s0 =	sor.u32 s1, s0  }
0xbc: {  	s0 =	sadd.s32 $0x8F2B, s0  }
0xbd: {  	[sflag:s0] =	ssyncadd.remote.s32 $0x1  }
0xbe: {  	_ =	sfence.sel $0xFFFF  }
0xbf: {  	[dreg:$0x0] =	wrdreg $0xFFFFFFFF;
	(pc) =	sbr.abs _section_cstart, $3  }
0xc0: {  	[dreg:$0x1] =	wrdreg $0xFFFFFFFF  }
0xc1: {  	_ =	task.clear_ibuf [dreg:s7], $0x2FFFF;
	_ =	strace $0x9FFFFFFF  }
0xc2: {  	(tm) =	ssettm $0x7FFFFFFF  }
0xc3: {  	_ =	shalt  }
tec
execute0_lowered:
.L_overlay_start_1:
0x0: {  	(tag) =	ssettag $0x1  }
0x1: {  	s0 =	rddreg [dreg:$0x0];
	s2 =	srdreg.scid  }
0x2: {  	s3 =	rddreg [dreg:$0x1];
	s4 =	sand.u32 $0x1, s2;
	s2 =	simm.s32 $0x0  }
0x3: {  	s7 =	sadd.s32 $0x2000, s0;
	[smem:$0x7FF] =	sst s2  }
0x4: {  	s22 =	simm.s32 $0x80;
	_ =	strace $0x8000004A;
	[dreg:$0x3] =	wrdreg s7  }
0x5: {  	s23 =	simm.s32 $0xA00;
	[dreg:$0x7] =	wrdreg s22  }
0x6: {  	s24 =	simm.s32 $0x1200;
	[dreg:$0x8] =	wrdreg s23  }
0x7: {  	s25 =	simm.s32 $0x1A00;
	[dreg:$0x9] =	wrdreg s24  }
0x8: {  	s1 =	stileid.u32;
	s26 =	simm.s32 $0x2200;
	[dreg:$0xa] =	wrdreg s25  }
0x9: {  	s5 =	sshll.u32 s1, $0x5;
	s1 =	simm.s32 $0x2A00;
	[dreg:$0xb] =	wrdreg s26  }
0xa: {  	s8 =	simm.s32 $0x4A00;
	[dreg:$0xc] =	wrdreg s1  }
0xb: {  	s9 =	simm.s32 $0x5200;
	[dreg:$0x10] =	wrdreg s8  }
0xc: {  	s10 =	simm.s32 $0x5A00;
	[dreg:$0x11] =	wrdreg s9  }
0xd: {  	s11 =	simm.s32 $0x6200;
	s12 =	simm.s32 $0x6A00;
	[dreg:$0x12] =	wrdreg s10  }
0xe: {  	s13 =	simm.s32 $0x7200;
	s14 =	simm.s32 $0x7A00;
	[dreg:$0x13] =	wrdreg s11  }
0xf: {  	s15 =	simm.s32 $0x8200;
	s16 =	simm.s32 $0x8A00;
	[dreg:$0x14] =	wrdreg s12  }
0x10: {  	s17 =	simm.s32 $0x9200;
	s18 =	simm.s32 $0x9A00;
	[dreg:$0x15] =	wrdreg s13  }
0x11: {  	s20 =	simm.s32 $0xA200;
	s28 =	simm.s32 $0x16200;
	[dreg:$0x16] =	wrdreg s14  }
0x12: {  	s29 =	simm.s32 $0x16A00;
	s30 =	simm.s32 $0x17200;
	[dreg:$0x17] =	wrdreg s15  }
0x13: {  	s31 =	simm.s32 $0x17A00;
	s6 =	sshll.u32 s4, $0x4;
	[dreg:$0x18] =	wrdreg s16  }
0x14: {  	s4 =	ssub.s32 $0x2, s4;
	s5 =	sor.u32 s6, s5;
	[dreg:$0x19] =	wrdreg s17  }
0x15: {  	s7 =	simm.s32 $0x4200;
	s19 =	sshrl.u32 s4, $0x1;
	[dreg:$0x1a] =	wrdreg s18  }
0x16: {  	[dreg:$0x1b] =	wrdreg s20;
	s22 =	simm.s32 $0xB200;
	s23 =	simm.s32 $0xBA00  }
0x17: {  	s24 =	simm.s32 $0xC200;
	s25 =	simm.s32 $0xCA00;
	s8 =	simm.s32 $0x100  }
0x18: {  	s26 =	simm.s32 $0xD200;
	s9 =	simm.s32 $0x200;
	s11 =	simm.s32 $0xE200  }
0x19: {  	s12 =	simm.s32 $0xEA00;
	s13 =	simm.s32 $0xF200;
	[dreg:$0xf] =	wrdreg s7  }
0x1a: {  	s14 =	simm.s32 $0xFA00;
	s15 =	simm.s32 $0x10200;
	[dreg:$0x1d] =	wrdreg s22  }
0x1b: {  	s16 =	simm.s32 $0x10A00;
	s17 =	simm.s32 $0x11200;
	[dreg:$0x1e] =	wrdreg s23  }
0x1c: {  	s18 =	simm.s32 $0x11A00;
	s20 =	simm.s32 $0x12A00;
	[dreg:$0x1f] =	wrdreg s24  }
0x1d: {  	s6 =	sadd.s32 s5, s0;
	s5 =	smul.u32 $0x300, s5;
	[smem:$0x7FC] =	sst s25  }
0x1e: {  	s7 =	simm.s32 $0x2;
	[smem:$0x7FD] =	sst s26;
	s21 =	sadd.s32 $0x1C00, s6  }
0x1f: {  	s22 =	simm.s32 $0x13A00;
	s6 =	sadd.s32 $0x1800, s6;
	[dreg:$0x4] =	wrdreg s21  }
0x20: {  	s23 =	simm.s32 $0x14200;
	[dreg:$0x5] =	wrdreg s6;
	s3 =	sadd.s32 s3, s5  }
0x21: {  	s24 =	simm.s32 $0x14A00;
	s5 =	simm.s32 $0x3200;
	[dreg:$0x6] =	wrdreg s3  }
0x22: {  	s25 =	simm.s32 $0x15200;
	s6 =	simm.s32 $0x3A00;
	[dreg:$0xd] =	wrdreg s5  }
0x23: {  	s26 =	simm.s32 $0x15A00;
	s21 =	simm.s32 $0xAA00;
	[dreg:$0xe] =	wrdreg s6  }
0x24: {  	v2 =	vlaneseq.u32;
	s3 =	sadd.s32 $0x122200, s0;
	s6 =	ssub.s32 s4, s19;
	s4 =	sadd.s32 $0x122300, s0  }
0x25: {  	vm0 =	vmmov $0xffff;
	v1 =	vshrl.u32 v2, $0x3;
	[dreg:$0x1c] =	wrdreg s21;
	s5 =	sadd.s32 $0x122400, s0;
	s19 =	simm.s32 $0x12200  }
0x26: {  	v0 =	vand.u32 $0x7, v2;
	v2 =	vor.u32 $0x8, v2;
	v1 =	vmul.u32 $0x8, v1;
	s21 =	simm.s32 $0x13200;
	s0 =	simm.s32 $0x1;
	s6 =	smax.u32 s6, $0x1  }
.LBB2_1:
0x27: {  	s1 =	rddreg [dreg:$0x4]  }
0x28: {  	[tilespmem:s2], [sflag:$0x2] =	stream.linear.gather [hbm4b:s1+s2], $0x80, $0x38;
	[tilespmem:$0x18200] =	vst v63  }
0x29: {  	_ =	swait.ge [sflag:s7], $0x80  }
0x2a: {  	s1 =	rddreg [dreg:$0x5];
	[sflag:s7] =	ssyncset.done $0x0  }
0x2b: {  	s10 =	rddreg [dreg:$0x7];
	[sflag:s7] =	ssyncadd.s32 $0xFFFFFF80  }
0x2c: {  	[tilespmem:s10], [sflag:$0x2] =	stream.linear.gather [hbm4b:s1+s2], $0x80, $0x38;
	[tilespmem:$0x18200] =	vst v63  }
0x2d: {  	_ =	swait.ge [sflag:s7], $0x80  }
0x2e: {  	[sflag:s7] =	ssyncset.done $0x0  }
0x2f: {  	s10 =	rddreg [dreg:$0x3];
	[sflag:s7] =	ssyncadd.s32 $0xFFFFFF80  }
0x30: {  	[tilespmem:s8], [sflag:$0x2] =	stream.linear.gather [hbm4b:s10+s2], $0x40, $0x38;
	[tilespmem:$0x18200] =	vst v63  }
0x31: {  	_ =	swait.ge [sflag:s7], $0x40  }
0x32: {  	[sflag:s7] =	ssyncset.done $0x0  }
0x33: {  	[sflag:s7] =	ssyncadd.s32 $0xFFFFFFC0  }
0x34: {  	v3 =	vld [tilespmem:$0x0];
	_ =	sdelay $0x5  }
0x35: {  	v4 =	vld [tilespmem:$0x80]  }
0x36: {  	v5 =	vld [tilespmem:$0x10]  }
0x37: {  	v3 =	vld.idx.msk [tilespmem:v3+s8+$0x0], $0xffff;
	_ =	sdelay $0x4  }
0x38: {  	v44 =	vld [tilespmem:$0x90];
	v3 =	vadd.s32 v4, v3  }
0x39: {  	v6 =	vld [tilespmem:$0x20];
	[tilespmem:$0x180] =	vst v3  }
0x3a: {  	v5 =	vld.idx.msk [tilespmem:v5+s8+$0x0], $0xffff;
	_ =	sdelay $0x4  }
0x3b: {  	v45 =	vld [tilespmem:$0xA0];
	v4 =	vadd.s32 v44, v5  }
0x3c: {  	v46 =	vld [tilespmem:$0x30];
	[tilespmem:$0x190] =	vst v4  }
0x3d: {  	v6 =	vld.idx.msk [tilespmem:v6+s8+$0x0], $0xffff;
	_ =	sdelay $0x4  }
0x3e: {  	v47 =	vld [tilespmem:$0xB0];
	v5 =	vadd.s32 v45, v6  }
0x3f: {  	v48 =	vld [tilespmem:$0x40];
	[tilespmem:$0x1A0] =	vst v5  }
0x40: {  	v4 =	vld.idx.msk [tilespmem:v46+s8+$0x0], $0xffff;
	_ =	sdelay $0x4  }
0x41: {  	v49 =	vld [tilespmem:$0xC0];
	v4 =	vadd.s32 v47, v4  }
0x42: {  	v50 =	vld [tilespmem:$0x50];
	[tilespmem:$0x1B0] =	vst v4  }
0x43: {  	v5 =	vld.idx.msk [tilespmem:v48+s8+$0x0], $0xffff;
	_ =	sdelay $0x4  }
0x44: {  	v51 =	vld [tilespmem:$0xD0];
	v5 =	vadd.s32 v49, v5  }
0x45: {  	v52 =	vld [tilespmem:$0x60];
	[tilespmem:$0x1C0] =	vst v5  }
0x46: {  	v4 =	vld.idx.msk [tilespmem:v50+s8+$0x0], $0xffff;
	_ =	sdelay $0x4  }
0x47: {  	v53 =	vld [tilespmem:$0xE0];
	v4 =	vadd.s32 v51, v4  }
0x48: {  	v54 =	vld [tilespmem:$0x70];
	[tilespmem:$0x1D0] =	vst v4  }
0x49: {  	v5 =	vld.idx.msk [tilespmem:v52+s8+$0x0], $0xffff;
	_ =	sdelay $0x2  }
0x4a: {  	v7 =	vshrl.u32 v3, $0x3  }
0x4b: {  	v7 =	vmul.u32 $0x30, v7  }
0x4c: {  	v3 =	vand.u32 $0x7, v3;
	v5 =	vadd.s32 v53, v5  }
0x4d: {  	v55 =	vld [tilespmem:$0xF0];
	v3 =	vor.u32 v3, v7;
	[tilespmem:$0x1E0] =	vst v5  }
0x4e: {  	v56 =	vperm.xlane v3, v0;
	v4 =	vld.idx.msk [tilespmem:v54+s8+$0x0], $0xffff;
	_ =	sdelay $0x1  }
0x4f: {  	v6 =	vadd.s32 v1, v56;
	_ =	sdelay $0x2  }
0x50: {  	v4 =	vadd.s32 v55, v4  }
0x51: {  	v3 =	vperm.xlane v3, v2;
	[tilespmem:$0x1F0] =	vst v4  }
0x52: {  	[tilespmem:s9], [sflag:$0x1] =	stream.indirect_vreg.gather [hbm4b:s3+s2], $0x80, v6, vm0, $0xb8;
	[tilespmem:$0x18200] =	vst v63  }
0x53: {  	s1 =	rddreg [dreg:$0x8];
	v3 =	vadd.s32 v1, v3  }
0x54: {  	[tilespmem:s1], [sflag:$0x1] =	stream.indirect_vreg.gather [hbm4b:s4+s2], $0x80, v6, vm0, $0xb8;
	[tilespmem:$0x18200] =	vst v63  }
0x55: {  	s10 =	rddreg [dreg:$0x9]  }
0x56: {  	[tilespmem:s10], [sflag:$0x1] =	stream.indirect_vreg.gather [hbm4b:s5+s2], $0x80, v6, vm0, $0xb8;
	[tilespmem:$0x18200] =	vst v63  }
0x57: {  	s1 =	rddreg [dreg:$0xa]  }
0x58: {  	[tilespmem:s1], [sflag:$0x1] =	stream.indirect_vreg.gather [hbm4b:s3+s2], $0x80, v3, vm0, $0xb8;
	[tilespmem:$0x18200] =	vst v63  }
0x59: {  	s10 =	rddreg [dreg:$0xb]  }
0x5a: {  	[tilespmem:s10], [sflag:$0x1] =	stream.indirect_vreg.gather [hbm4b:s4+s2], $0x80, v3, vm0, $0xb8;
	[tilespmem:$0x18200] =	vst v63  }
0x5b: {  	s1 =	rddreg [dreg:$0xc]  }
0x5c: {  	[tilespmem:s1], [sflag:$0x1] =	stream.indirect_vreg.gather [hbm4b:s5+s2], $0x80, v3, vm0, $0xb8;
	[tilespmem:$0x18200] =	vst v63  }
0x5d: {  	v3 =	vld [tilespmem:$0x190];
	_ =	sdelay $0x4  }
0x5e: {  	v57 =	vshrl.u32 v3, $0x3  }
0x5f: {  	v4 =	vmul.u32 $0x30, v57  }
0x60: {  	v3 =	vand.u32 $0x7, v3  }
0x61: {  	v3 =	vor.u32 v3, v4  }
0x62: {  	v4 =	vperm.xlane v3, v0;
	_ =	sdelay $0x1  }
0x63: {  	v4 =	vadd.s32 v1, v4;
	_ =	sdelay $0x3  }
0x64: {  	s1 =	rddreg [dreg:$0xd];
	v3 =	vperm.xlane v3, v2  }
0x65: {  	[tilespmem:s1], [sflag:$0x1] =	stream.indirect_vreg.gather [hbm4b:s3+s2], $0x80, v4, vm0, $0xb8;
	[tilespmem:$0x18200] =	vst v63  }
0x66: {  	s10 =	rddreg [dreg:$0xe];
	v3 =	vadd.s32 v1, v3  }
0x67: {  	[tilespmem:s10], [sflag:$0x1] =	stream.indirect_vreg.gather [hbm4b:s4+s2], $0x80, v4, vm0, $0xb8;
	[tilespmem:$0x18200] =	vst v63  }
0x68: {  	s1 =	rddreg [dreg:$0xf]  }
0x69: {  	[tilespmem:s1], [sflag:$0x1] =	stream.indirect_vreg.gather [hbm4b:s5+s2], $0x80, v4, vm0, $0xb8;
	[tilespmem:$0x18200] =	vst v63  }
0x6a: {  	s10 =	rddreg [dreg:$0x10]  }
0x6b: {  	[tilespmem:s10], [sflag:$0x1] =	stream.indirect_vreg.gather [hbm4b:s3+s2], $0x80, v3, vm0, $0xb8;
	[tilespmem:$0x18200] =	vst v63  }
0x6c: {  	s1 =	rddreg [dreg:$0x11]  }
0x6d: {  	[tilespmem:s1], [sflag:$0x1] =	stream.indirect_vreg.gather [hbm4b:s4+s2], $0x80, v3, vm0, $0xb8;
	[tilespmem:$0x18200] =	vst v63  }
0x6e: {  	s10 =	rddreg [dreg:$0x12]  }
0x6f: {  	[tilespmem:s10], [sflag:$0x1] =	stream.indirect_vreg.gather [hbm4b:s5+s2], $0x80, v3, vm0, $0xb8;
	[tilespmem:$0x18200] =	vst v63  }
0x70: {  	v3 =	vld [tilespmem:$0x1A0];
	_ =	sdelay $0x4  }
0x71: {  	v58 =	vshrl.u32 v3, $0x3  }
0x72: {  	v4 =	vmul.u32 $0x30, v58  }
0x73: {  	v3 =	vand.u32 $0x7, v3  }
0x74: {  	v3 =	vor.u32 v3, v4  }
0x75: {  	v4 =	vperm.xlane v3, v0;
	_ =	sdelay $0x1  }
0x76: {  	v4 =	vadd.s32 v1, v4;
	_ =	sdelay $0x3  }
0x77: {  	s1 =	rddreg [dreg:$0x13];
	v3 =	vperm.xlane v3, v2  }
0x78: {  	[tilespmem:s1], [sflag:$0x1] =	stream.indirect_vreg.gather [hbm4b:s3+s2], $0x80, v4, vm0, $0xb8;
	[tilespmem:$0x18200] =	vst v63  }
0x79: {  	s10 =	rddreg [dreg:$0x14];
	v3 =	vadd.s32 v1, v3  }
0x7a: {  	[tilespmem:s10], [sflag:$0x1] =	stream.indirect_vreg.gather [hbm4b:s4+s2], $0x80, v4, vm0, $0xb8;
	[tilespmem:$0x18200] =	vst v63  }
0x7b: {  	s1 =	rddreg [dreg:$0x15]  }
0x7c: {  	[tilespmem:s1], [sflag:$0x1] =	stream.indirect_vreg.gather [hbm4b:s5+s2], $0x80, v4, vm0, $0xb8;
	[tilespmem:$0x18200] =	vst v63  }
0x7d: {  	s10 =	rddreg [dreg:$0x16]  }
0x7e: {  	[tilespmem:s10], [sflag:$0x1] =	stream.indirect_vreg.gather [hbm4b:s3+s2], $0x80, v3, vm0, $0xb8;
	[tilespmem:$0x18200] =	vst v63  }
0x7f: {  	s1 =	rddreg [dreg:$0x17]  }
0x80: {  	[tilespmem:s1], [sflag:$0x1] =	stream.indirect_vreg.gather [hbm4b:s4+s2], $0x80, v3, vm0, $0xb8;
	[tilespmem:$0x18200] =	vst v63  }
0x81: {  	s10 =	rddreg [dreg:$0x18]  }
0x82: {  	[tilespmem:s10], [sflag:$0x1] =	stream.indirect_vreg.gather [hbm4b:s5+s2], $0x80, v3, vm0, $0xb8;
	[tilespmem:$0x18200] =	vst v63  }
0x83: {  	v3 =	vld [tilespmem:$0x1B0];
	_ =	sdelay $0x4  }
0x84: {  	v59 =	vshrl.u32 v3, $0x3  }
0x85: {  	v4 =	vmul.u32 $0x30, v59  }
0x86: {  	v3 =	vand.u32 $0x7, v3  }
0x87: {  	v3 =	vor.u32 v3, v4  }
0x88: {  	v4 =	vperm.xlane v3, v0;
	_ =	sdelay $0x1  }
0x89: {  	v4 =	vadd.s32 v1, v4;
	_ =	sdelay $0x3  }
0x8a: {  	s1 =	rddreg [dreg:$0x19];
	v3 =	vperm.xlane v3, v2  }
0x8b: {  	[tilespmem:s1], [sflag:$0x1] =	stream.indirect_vreg.gather [hbm4b:s3+s2], $0x80, v4, vm0, $0xb8;
	[tilespmem:$0x18200] =	vst v63  }
0x8c: {  	s10 =	rddreg [dreg:$0x1a];
	v3 =	vadd.s32 v1, v3  }
0x8d: {  	[tilespmem:s10], [sflag:$0x1] =	stream.indirect_vreg.gather [hbm4b:s4+s2], $0x80, v4, vm0, $0xb8;
	[tilespmem:$0x18200] =	vst v63  }
0x8e: {  	s1 =	rddreg [dreg:$0x1b]  }
0x8f: {  	[tilespmem:s1], [sflag:$0x1] =	stream.indirect_vreg.gather [hbm4b:s5+s2], $0x80, v4, vm0, $0xb8;
	[tilespmem:$0x18200] =	vst v63  }
0x90: {  	s10 =	rddreg [dreg:$0x1c]  }
0x91: {  	[tilespmem:s10], [sflag:$0x1] =	stream.indirect_vreg.gather [hbm4b:s3+s2], $0x80, v3, vm0, $0xb8;
	[tilespmem:$0x18200] =	vst v63  }
0x92: {  	s1 =	rddreg [dreg:$0x1d]  }
0x93: {  	[tilespmem:s1], [sflag:$0x1] =	stream.indirect_vreg.gather [hbm4b:s4+s2], $0x80, v3, vm0, $0xb8;
	[tilespmem:$0x18200] =	vst v63  }
0x94: {  	s10 =	rddreg [dreg:$0x1e]  }
0x95: {  	[tilespmem:s10], [sflag:$0x1] =	stream.indirect_vreg.gather [hbm4b:s5+s2], $0x80, v3, vm0, $0xb8;
	[tilespmem:$0x18200] =	vst v63  }
0x96: {  	v3 =	vld [tilespmem:$0x1C0];
	_ =	sdelay $0x4  }
0x97: {  	v60 =	vshrl.u32 v3, $0x3  }
0x98: {  	v4 =	vmul.u32 $0x30, v60  }
0x99: {  	v3 =	vand.u32 $0x7, v3  }
0x9a: {  	v3 =	vor.u32 v3, v4  }
0x9b: {  	v4 =	vperm.xlane v3, v0;
	_ =	sdelay $0x1  }
0x9c: {  	v4 =	vadd.s32 v1, v4;
	_ =	sdelay $0x2  }
0x9d: {  	s1 =	rddreg [dreg:$0x1f]  }
0x9e: {  	s10 =	sld [smem:$0x7FC];
	v3 =	vperm.xlane v3, v2  }
0x9f: {  	[tilespmem:s1], [sflag:$0x1] =	stream.indirect_vreg.gather [hbm4b:s3+s2], $0x80, v4, vm0, $0xb8;
	[tilespmem:$0x18200] =	vst v63  }
0xa0: {  	v3 =	vadd.s32 v1, v3;
	s1 =	sld [smem:$0x7FD]  }
0xa1: {  	[tilespmem:s10], [sflag:$0x1] =	stream.indirect_vreg.gather [hbm4b:s4+s2], $0x80, v4, vm0, $0xb8;
	[tilespmem:$0x18200] =	vst v63  }
0xa2: {  	_ = 	snop  }
0xa3: {  	[tilespmem:s1], [sflag:$0x1] =	stream.indirect_vreg.gather [hbm4b:s5+s2], $0x80, v4, vm0, $0xb8;
	[tilespmem:$0x18200] =	vst v63  }
0xa4: {  	s10 =	simm.s32 $0xDA00  }
0xa5: {  	[tilespmem:s10], [sflag:$0x1] =	stream.indirect_vreg.gather [hbm4b:s3+s2], $0x80, v3, vm0, $0xb8;
	[tilespmem:$0x18200] =	vst v63  }
0xa6: {  	_ = 	snop  }
0xa7: {  	[tilespmem:s11], [sflag:$0x1] =	stream.indirect_vreg.gather [hbm4b:s4+s2], $0x80, v3, vm0, $0xb8;
	[tilespmem:$0x18200] =	vst v63  }
0xa8: {  	_ = 	snop  }
0xa9: {  	[tilespmem:s12], [sflag:$0x1] =	stream.indirect_vreg.gather [hbm4b:s5+s2], $0x80, v3, vm0, $0xb8;
	[tilespmem:$0x18200] =	vst v63  }
0xaa: {  	v3 =	vld [tilespmem:$0x1D0];
	_ =	sdelay $0x4  }
0xab: {  	v61 =	vshrl.u32 v3, $0x3  }
0xac: {  	v4 =	vmul.u32 $0x30, v61  }
0xad: {  	v3 =	vand.u32 $0x7, v3  }
0xae: {  	v3 =	vor.u32 v3, v4  }
0xaf: {  	v4 =	vperm.xlane v3, v0;
	_ =	sdelay $0x1  }
0xb0: {  	v4 =	vadd.s32 v1, v4;
	_ =	sdelay $0x3  }
0xb1: {  	v3 =	vperm.xlane v3, v2  }
0xb2: {  	[tilespmem:s13], [sflag:$0x1] =	stream.indirect_vreg.gather [hbm4b:s3+s2], $0x80, v4, vm0, $0xb8;
	[tilespmem:$0x18200] =	vst v63  }
0xb3: {  	v3 =	vadd.s32 v1, v3  }
0xb4: {  	[tilespmem:s14], [sflag:$0x1] =	stream.indirect_vreg.gather [hbm4b:s4+s2], $0x80, v4, vm0, $0xb8;
	[tilespmem:$0x18200] =	vst v63  }
0xb5: {  	_ = 	snop  }
0xb6: {  	[tilespmem:s15], [sflag:$0x1] =	stream.indirect_vreg.gather [hbm4b:s5+s2], $0x80, v4, vm0, $0xb8;
	[tilespmem:$0x18200] =	vst v63  }
0xb7: {  	_ = 	snop  }
0xb8: {  	[tilespmem:s16], [sflag:$0x1] =	stream.indirect_vreg.gather [hbm4b:s3+s2], $0x80, v3, vm0, $0xb8;
	[tilespmem:$0x18200] =	vst v63  }
0xb9: {  	_ = 	snop  }
0xba: {  	[tilespmem:s17], [sflag:$0x1] =	stream.indirect_vreg.gather [hbm4b:s4+s2], $0x80, v3, vm0, $0xb8;
	[tilespmem:$0x18200] =	vst v63  }
0xbb: {  	_ = 	snop  }
0xbc: {  	[tilespmem:s18], [sflag:$0x1] =	stream.indirect_vreg.gather [hbm4b:s5+s2], $0x80, v3, vm0, $0xb8;
	[tilespmem:$0x18200] =	vst v63  }
0xbd: {  	v3 =	vld [tilespmem:$0x1E0];
	_ =	sdelay $0x4  }
0xbe: {  	v62 =	vshrl.u32 v3, $0x3  }
0xbf: {  	v4 =	vmul.u32 $0x30, v62  }
0xc0: {  	v3 =	vand.u32 $0x7, v3  }
0xc1: {  	v3 =	vor.u32 v3, v4  }
0xc2: {  	v4 =	vperm.xlane v3, v0;
	_ =	sdelay $0x1  }
0xc3: {  	v4 =	vadd.s32 v1, v4;
	_ =	sdelay $0x3  }
0xc4: {  	v3 =	vperm.xlane v3, v2  }
0xc5: {  	[tilespmem:s19], [sflag:$0x1] =	stream.indirect_vreg.gather [hbm4b:s3+s2], $0x80, v4, vm0, $0xb8;
	[tilespmem:$0x18200] =	vst v63  }
0xc6: {  	v3 =	vadd.s32 v1, v3  }
0xc7: {  	[tilespmem:s20], [sflag:$0x1] =	stream.indirect_vreg.gather [hbm4b:s4+s2], $0x80, v4, vm0, $0xb8;
	[tilespmem:$0x18200] =	vst v63  }
0xc8: {  	_ = 	snop  }
0xc9: {  	[tilespmem:s21], [sflag:$0x1] =	stream.indirect_vreg.gather [hbm4b:s5+s2], $0x80, v4, vm0, $0xb8;
	[tilespmem:$0x18200] =	vst v63  }
0xca: {  	_ = 	snop  }
0xcb: {  	[tilespmem:s22], [sflag:$0x1] =	stream.indirect_vreg.gather [hbm4b:s3+s2], $0x80, v3, vm0, $0xb8;
	[tilespmem:$0x18200] =	vst v63  }
0xcc: {  	_ = 	snop  }
0xcd: {  	[tilespmem:s23], [sflag:$0x1] =	stream.indirect_vreg.gather [hbm4b:s4+s2], $0x80, v3, vm0, $0xb8;
	[tilespmem:$0x18200] =	vst v63  }
0xce: {  	_ = 	snop  }
0xcf: {  	[tilespmem:s24], [sflag:$0x1] =	stream.indirect_vreg.gather [hbm4b:s5+s2], $0x80, v3, vm0, $0xb8;
	[tilespmem:$0x18200] =	vst v63  }
0xd0: {  	v3 =	vld [tilespmem:$0x1F0];
	_ =	sdelay $0x4  }
0xd1: {  	v63 =	vshrl.u32 v3, $0x3  }
0xd2: {  	v4 =	vmul.u32 $0x30, v63  }
0xd3: {  	v3 =	vand.u32 $0x7, v3  }
0xd4: {  	v3 =	vor.u32 v3, v4  }
0xd5: {  	v4 =	vperm.xlane v3, v0;
	_ =	sdelay $0x1  }
0xd6: {  	v4 =	vadd.s32 v1, v4;
	_ =	sdelay $0x3  }
0xd7: {  	v3 =	vperm.xlane v3, v2  }
0xd8: {  	[tilespmem:s25], [sflag:$0x1] =	stream.indirect_vreg.gather [hbm4b:s3+s2], $0x80, v4, vm0, $0xb8;
	[tilespmem:$0x18200] =	vst v63  }
0xd9: {  	v3 =	vadd.s32 v1, v3  }
0xda: {  	[tilespmem:s26], [sflag:$0x1] =	stream.indirect_vreg.gather [hbm4b:s4+s2], $0x80, v4, vm0, $0xb8;
	[tilespmem:$0x18200] =	vst v63  }
0xdb: {  	_ = 	snop  }
0xdc: {  	[tilespmem:s28], [sflag:$0x1] =	stream.indirect_vreg.gather [hbm4b:s5+s2], $0x80, v4, vm0, $0xb8;
	[tilespmem:$0x18200] =	vst v63  }
0xdd: {  	_ = 	snop  }
0xde: {  	[tilespmem:s29], [sflag:$0x1] =	stream.indirect_vreg.gather [hbm4b:s3+s2], $0x80, v3, vm0, $0xb8;
	[tilespmem:$0x18200] =	vst v63  }
0xdf: {  	_ = 	snop  }
0xe0: {  	[tilespmem:s30], [sflag:$0x1] =	stream.indirect_vreg.gather [hbm4b:s4+s2], $0x80, v3, vm0, $0xb8;
	[tilespmem:$0x18200] =	vst v63  }
0xe1: {  	_ = 	snop  }
0xe2: {  	[tilespmem:s31], [sflag:$0x1] =	stream.indirect_vreg.gather [hbm4b:s5+s2], $0x80, v3, vm0, $0xb8;
	[tilespmem:$0x18200] =	vst v63  }
0xe3: {  	_ =	swait.ge [sflag:s0], $0x18000  }
0xe4: {  	p0 =	sne.s32 s6, $0x1;
	[sflag:s0] =	ssyncset.done $0x0  }
.Ltmp0:
0xe5: {  	s10 =	rddreg [dreg:$0x6];
	[sflag:s0] =	ssyncadd.s32 $0xFFFE8000;
	(pc) =	sbr.rel @p0 .LBB2_1-.Ltmp0, $4  }
0xe6: {  	[hbm4b:s10+s2] =	stream.linear.scatter [tilespmem:s9], [sflag:$0x2], $0x18000, $0x38;
	[tilespmem:$0x18200] =	vst v63  }
0xe7: {  	_ =	swait.ge [sflag:s7], $0x18000  }
0xe8: {  	[sflag:s7] =	ssyncset.done $0x0  }
0xe9: {  	s6 =	sadd.s32 $0xFFFFFFFF, s6;
	[sflag:s7] =	ssyncadd.s32 $0xFFFE8000  }
0xea: {  	_ =	sfence.sel $0x180000  }
0xeb: {  	[bflag:$0x0] =	sbarrier.arrive $0xFFFF  }
0xec: {  	_ =	strace $0x9000004A  }
0xed: {  	s0 =	stileid.u32;
	[bflag:$0x2] =	sbarrier.arrive $0xFFFF  }
0xee: {  	p0 =	sne.s32 s0, $0x0;
	s0 =	rddreg [dreg:$0x2]  }
0xef: {  	s0 =	sadd.s32 @!p0 $0x100000, s0  }
0xf0: {  	[sflag:s0] =	ssyncadd.tile.s32 @!p0 $0x1;
	_ =	shalt  }
.Lfunc_end2:
_tile_overlayer_lowered:
.L_overlay_start_2:
0xf1: {  	(tag) =	ssettag $0x2  }
0xf2: {  	s0 =	rddreg [dreg:$0x0];
	s2 =	stileid.u32  }
0xf3: {  	s1 =	rddreg [dreg:$0x1];
	p0 =	sne.s32 s2, $0x0  }
0xf4: {  	s3 =	rddreg [dreg:$0x2];
	[bflag:$0x3] =	sbarrier.arrive $0xFFFF;
	s2 =	simm.s32 @!p0 $0x1C02  }
0xf5: {  	[timem:s3], [sflag:s2] =	dma.local @!p0 [hbm:s0], s1  }
0xf6: {  	s0 =	simm.s32 @!p0 $0x2  }
0xf7: {  	_ =	swait.ge @!p0 [sflag:s0], s1  }
0xf8: {  	s1 =	ssub.s32 @!p0 $0x0, s1;
	[sflag:s0] =	ssyncset.done @!p0 $0x0  }
0xf9: {  	[sflag:s0] =	ssyncadd.s32 @!p0 s1  }
0xfa: {  	[bflag:$0x3] =	sbarrier.arrive $0xFFFF  }
0xfb: {  	_ =	shalt  }

</sc_bundles>
